<compile_context>
chip_gen: v7x
topology: tpu7x:2x2x1
jax: 0.10.2.dev20260603
libtpu: 0.0.44.dev20260713+nightly
codegen_flags: <defaults>
</compile_context>

<pallas_src>
import functools

import jax
import jax.numpy as jnp
from jax import lax
from jax.experimental import pallas as pl
from jax.experimental.pallas import tpu as pltpu
from jax.experimental.pallas import tpu_sc as plsc

NUM_FIELDS = 26
VOCAB = 100000
EMB_DIM = 32
BATCH = 16384

NC = 2
NS = 16
NW = NC * NS
BPW = BATCH // NW
NPLANES = NUM_FIELDS * EMB_DIM
RING = 8


def _sc_body(idx_hbm, t2_hbm, out_hbm, idx_v, pbuf_v, acc_v, sems):
    c = lax.axis_index("c")
    s = lax.axis_index("s")
    wid = s * NC + c
    base = wid * BPW

    pltpu.sync_copy(idx_hbm.at[wid], idx_v)

    def fire(p):
        f = lax.div(p, EMB_DIM)
        slot = lax.rem(p, RING)
        pltpu.async_copy(
            t2_hbm.at[p].at[idx_v.at[f].at[pl.ds(0, 256)]],
            pbuf_v.at[slot].at[pl.ds(0, 256)],
            sems.at[slot],
        )
        pltpu.async_copy(
            t2_hbm.at[p].at[idx_v.at[f].at[pl.ds(256, 256)]],
            pbuf_v.at[slot].at[pl.ds(256, 256)],
            sems.at[slot],
        )

    def drain_one(slot):
        pltpu.make_async_copy(
            t2_hbm.at[0].at[idx_v.at[0]], pbuf_v.at[0], sems.at[slot]
        ).wait()

    def prime(p, carry):
        fire(p)
        return carry

    lax.fori_loop(0, RING, prime, 0)

    def plane_body(p, carry):
        d = lax.rem(p, EMB_DIM)
        slot = lax.rem(p, RING)
        fld = lax.div(p, EMB_DIM)

        @pl.when(fld == 0)
        def _():
            for k in range(2):
                acc_v[d, pl.ds(k * 16, 16)] = pbuf_v[slot, pl.ds(k * 16, 16)]

        @pl.when(p + RING < NPLANES)
        def _():
            fire(p + RING)

        return carry

    lax.fori_loop(0, NPLANES, plane_body, 0)

    def drain_all(q, carry):
        drain_one(lax.rem(q, RING))
        return carry

    lax.fori_loop(0, NPLANES, drain_all, 0)

    for dd in range(EMB_DIM):
        pltpu.sync_copy(acc_v.at[dd], out_hbm.at[dd].at[pl.ds(base, BPW)])


_emb_call = functools.partial(
    pl.kernel,
    mesh=plsc.VectorSubcoreMesh(
        core_axis_name="c", subcore_axis_name="s", num_cores=NC, num_subcores=NS
    ),
    out_type=jax.ShapeDtypeStruct((EMB_DIM, BATCH), jnp.float32),
    scratch_types=[
        pltpu.VMEM((NUM_FIELDS, BPW), jnp.int32),
        pltpu.VMEM((RING, BPW), jnp.float32),
        pltpu.VMEM((EMB_DIM, BPW), jnp.float32),
        pltpu.SemaphoreType.DMA((RING,)),
    ],
    compiler_params=pltpu.CompilerParams(use_tc_tiling_on_sc=False),
)(_sc_body)


@jax.jit
def kernel(g, x, tables):
    x = x.astype(jnp.int32)
    t2 = jnp.transpose(tables, (0, 2, 1)).reshape(NPLANES, VOCAB)
    idx = x.reshape(NW, BPW, NUM_FIELDS).transpose(0, 2, 1)
    out = _emb_call(idx, t2)
    return out.T

# --- scband reference (transcript-rebuilt; emitter-appended) ---
"""Pipeline reference for scband-cikmembedding-9062380995365 (READ-ONLY COPY).

The authoritative reference and input builder live on the scoring server;
editing this copy changes nothing except your own understanding.
"""

import jax, jax.numpy as jnp
import numpy as np

NUM_FIELDS = 26
VOCAB = 100000
EMB_DIM = 32
BATCH = 16384


def setup_inputs(seed: int = 0) -> dict:
    key = jax.random.key(seed)
    k1, k2 = jax.random.split(key)
    g = jnp.zeros((1,), dtype=jnp.float32)  # graph placeholder; unused (degree=False)
    x = jax.random.randint(k1, (BATCH, NUM_FIELDS), 0, VOCAB)
    # 26 embedding tables, each [VOCAB, EMB_DIM], stacked into one array
    tables = jax.random.normal(k2, (NUM_FIELDS, VOCAB, EMB_DIM), dtype=jnp.float32) * 0.02
    return {"g": g, "x": x, "tables": tables}


def reference(g, x, tables):
    # CategoricalEmbedding: split x along last dim into per-field index vectors,
    # look up each field's table, stack and sum over fields.
    # tables[i][x[:, i]] for each field i, summed over i.
    per_field = jax.vmap(lambda t, idx: jnp.take(t, idx, axis=0))(tables, x.T)  # [F, B, D]
    h = per_field.sum(axis=0)  # [B, D]
    # degree=False so no degree embedding; perturb is None so no addition.
    return h

if __name__ == "__main__":
    import jax
    _d = setup_inputs()
    print(jax.jit(kernel)(*tuple(_d.values())))

</pallas_src>

<mosaic_0001>
#map = affine_map<(d0, d1) -> (0, 0, 0)>
#map1 = affine_map<(d0, d1) -> (0, 0)>
module attributes {stable_mosaic.version = 14 : i64} {
  func.func @_sc_body(%arg0: i32, %arg1: i32, %arg2: memref<32x26x512xi32, #tpu.memory_space<hbm>>, %arg3: memref<832x100000xf32, #tpu.memory_space<hbm>>, %arg4: memref<32x16384xf32, #tpu.memory_space<hbm>>, %arg5: memref<26x512xi32, #tpu.memory_space<vmem>>, %arg6: memref<8x512xf32, #tpu.memory_space<vmem>>, %arg7: memref<32x512xf32, #tpu.memory_space<vmem>>, %arg8: memref<8x!tpu.dma_semaphore, #tpu.memory_space<semaphore_mem>>) attributes {dimension_semantics = [#tpu.dimension_semantics<core_parallel>, #tpu.dimension_semantics<subcore_parallel>], iteration_bounds = array<i64: 2, 16>, scalar_prefetch = 0 : i64, scratch_operands = 4 : i64, tpu.core_type = #tpu.core_type<sc_vector_subcore>, window_params = [{transform_indices = #map}, {transform_indices = #map1}, {transform_indices = #map1}]} {
    %mul3A = arith.constant 2 : i32
    %mul3A_0 = arith.muli %arg1, %mul3A : i32
    %add3A = arith.addi %mul3A_0, %arg0 : i32
    %mul3A_1 = arith.constant 512 : i32
    %mul3A_2 = arith.muli %add3A, %mul3A_1 : i32
    "tpu.region"() ({
      %run_scoped3A_83 = tpu.sem_alloc : memref<!tpu.dma_semaphore, #tpu.memory_space<semaphore_mem>>
      %dma_start3A = arith.constant 0 : i32
      %dma_start3A_84 = arith.constant 0 : i32
      %dma_start3A_85 = tpu.memref_slice %arg2[%add3A, %dma_start3A, %dma_start3A_84] : memref<32x26x512xi32, #tpu.memory_space<hbm>> -> memref<1x26x512xi32, #tpu.memory_space<hbm>>
      %dma_start3A_86 = tpu.memref_squeeze %dma_start3A_85 : memref<1x26x512xi32, #tpu.memory_space<hbm>> -> memref<26x512xi32, #tpu.memory_space<hbm>>
      %dma_start3A_87 = arith.constant 0 : i32
      %dma_start3A_88 = arith.constant 0 : i32
      %dma_start3A_89 = tpu.memref_slice %arg2[%add3A, %dma_start3A_87, %dma_start3A_88] : memref<32x26x512xi32, #tpu.memory_space<hbm>> -> memref<1x26x512xi32, #tpu.memory_space<hbm>>
      %dma_start3A_90 = tpu.memref_squeeze %dma_start3A_89 : memref<1x26x512xi32, #tpu.memory_space<hbm>> -> memref<26x512xi32, #tpu.memory_space<hbm>>
      tpu.enqueue_dma source(%dma_start3A_90 : memref<26x512xi32, #tpu.memory_space<hbm>>) target(%arg5 : memref<26x512xi32, #tpu.memory_space<vmem>>) target_semaphore(%run_scoped3A_83 : memref<!tpu.dma_semaphore, #tpu.memory_space<semaphore_mem>>)
      %dma_wait3A = arith.constant 0 : i32
      %dma_wait3A_91 = arith.constant 0 : i32
      %dma_wait3A_92 = tpu.memref_slice %arg2[%add3A, %dma_wait3A, %dma_wait3A_91] : memref<32x26x512xi32, #tpu.memory_space<hbm>> -> memref<1x26x512xi32, #tpu.memory_space<hbm>>
      %dma_wait3A_93 = tpu.memref_squeeze %dma_wait3A_92 : memref<1x26x512xi32, #tpu.memory_space<hbm>> -> memref<26x512xi32, #tpu.memory_space<hbm>>
      %dma_wait3A_94 = arith.constant 0 : i32
      %dma_wait3A_95 = arith.constant 0 : i32
      %dma_wait3A_96 = tpu.memref_slice %arg2[%add3A, %dma_wait3A_94, %dma_wait3A_95] : memref<32x26x512xi32, #tpu.memory_space<hbm>> -> memref<1x26x512xi32, #tpu.memory_space<hbm>>
      %dma_wait3A_97 = tpu.memref_squeeze %dma_wait3A_96 : memref<1x26x512xi32, #tpu.memory_space<hbm>> -> memref<26x512xi32, #tpu.memory_space<hbm>>
      tpu.wait_dma2 semaphore(%run_scoped3A_83 : memref<!tpu.dma_semaphore, #tpu.memory_space<semaphore_mem>>) src(%dma_wait3A_97 : memref<26x512xi32, #tpu.memory_space<hbm>>) dst(%arg5 : memref<26x512xi32, #tpu.memory_space<vmem>>)
      tpu.yield
    }) : () -> ()
    %scan3A = arith.constant 0 : i32
    %scan3A_3 = arith.constant 0 : i32
    %scan3A_4 = arith.constant 8 : i32
    %scan3A_5 = arith.addi %scan3A_3, %scan3A_4 : i32
    %scan3A_6 = arith.constant 1 : i32
    scf.for %scan3A_83 = %scan3A_3 to %scan3A_5 step %scan3A_6  : i32 {
      %div3A = arith.constant 32 : i32
      %div3A_84 = arith.divsi %scan3A_83, %div3A : i32
      %rem3A = arith.constant 8 : i32
      %rem3A_85 = arith.remsi %scan3A_83, %rem3A : i32
      %dma_start3A = arith.constant 0 : i32
      %dma_start3A_86 = tpu.memref_slice %arg6[%rem3A_85, %dma_start3A] : memref<8x512xf32, #tpu.memory_space<vmem>> -> memref<1x512xf32, #tpu.memory_space<vmem>>
      %dma_start3A_87 = tpu.memref_squeeze %dma_start3A_86 : memref<1x512xf32, #tpu.memory_space<vmem>> -> memref<512xf32, #tpu.memory_space<vmem>>
      %dma_start3A_88 = arith.constant 0 : i32
      %dma_start3A_89 = tpu.memref_slice %dma_start3A_87[%dma_start3A_88] : memref<512xf32, #tpu.memory_space<vmem>> -> memref<256xf32, #tpu.memory_space<vmem>>
      %dma_start3A_90 = arith.constant 0 : i32
      %dma_start3A_91 = tpu.memref_slice %arg5[%div3A_84, %dma_start3A_90] : memref<26x512xi32, #tpu.memory_space<vmem>> -> memref<1x512xi32, #tpu.memory_space<vmem>>
      %dma_start3A_92 = tpu.memref_squeeze %dma_start3A_91 : memref<1x512xi32, #tpu.memory_space<vmem>> -> memref<512xi32, #tpu.memory_space<vmem>>
      %dma_start3A_93 = arith.constant 0 : i32
      %dma_start3A_94 = tpu.memref_slice %dma_start3A_92[%dma_start3A_93] : memref<512xi32, #tpu.memory_space<vmem>> -> memref<256xi32, #tpu.memory_space<vmem>>
      %dma_start3A_95 = arith.constant 0 : i32
      %dma_start3A_96 = tpu.memref_slice %arg3[%scan3A_83, %dma_start3A_95] : memref<832x100000xf32, #tpu.memory_space<hbm>> -> memref<1x100000xf32, #tpu.memory_space<hbm>>
      %dma_start3A_97 = tpu.memref_squeeze %dma_start3A_96 : memref<1x100000xf32, #tpu.memory_space<hbm>> -> memref<100000xf32, #tpu.memory_space<hbm>>
      %dma_start3A_98 = arith.constant 0 : i32
      %dma_start3A_99 = tpu.memref_slice %dma_start3A_97[%dma_start3A_98] : memref<100000xf32, #tpu.memory_space<hbm>> -> memref<100000xf32, #tpu.memory_space<hbm>>
      %dma_start3A_100 = tpu.memref_slice %arg8[%rem3A_85] : memref<8x!tpu.dma_semaphore, #tpu.memory_space<semaphore_mem>> -> memref<1x!tpu.dma_semaphore, #tpu.memory_space<semaphore_mem>>
      %dma_start3A_101 = tpu.memref_squeeze %dma_start3A_100 : memref<1x!tpu.dma_semaphore, #tpu.memory_space<semaphore_mem>> -> memref<!tpu.dma_semaphore, #tpu.memory_space<semaphore_mem>>
      tpu.enqueue_indirect_dma source(%dma_start3A_99 : memref<100000xf32, #tpu.memory_space<hbm>>) target(%dma_start3A_89 : memref<256xf32, #tpu.memory_space<vmem>>) offsets(%dma_start3A_94 : memref<256xi32, #tpu.memory_space<vmem>>) semaphore(%dma_start3A_101 : memref<!tpu.dma_semaphore, #tpu.memory_space<semaphore_mem>>)
      %dma_start3A_102 = arith.constant 0 : i32
      %dma_start3A_103 = tpu.memref_slice %arg6[%rem3A_85, %dma_start3A_102] : memref<8x512xf32, #tpu.memory_space<vmem>> -> memref<1x512xf32, #tpu.memory_space<vmem>>
      %dma_start3A_104 = tpu.memref_squeeze %dma_start3A_103 : memref<1x512xf32, #tpu.memory_space<vmem>> -> memref<512xf32, #tpu.memory_space<vmem>>
      %dma_start3A_105 = arith.constant 256 : i32
      %dma_start3A_106 = tpu.memref_slice %dma_start3A_104[%dma_start3A_105] : memref<512xf32, #tpu.memory_space<vmem>> -> memref<256xf32, #tpu.memory_space<vmem>>
      %dma_start3A_107 = arith.constant 0 : i32
      %dma_start3A_108 = tpu.memref_slice %arg5[%div3A_84, %dma_start3A_107] : memref<26x512xi32, #tpu.memory_space<vmem>> -> memref<1x512xi32, #tpu.memory_space<vmem>>
      %dma_start3A_109 = tpu.memref_squeeze %dma_start3A_108 : memref<1x512xi32, #tpu.memory_space<vmem>> -> memref<512xi32, #tpu.memory_space<vmem>>
      %dma_start3A_110 = arith.constant 256 : i32
      %dma_start3A_111 = tpu.memref_slice %dma_start3A_109[%dma_start3A_110] : memref<512xi32, #tpu.memory_space<vmem>> -> memref<256xi32, #tpu.memory_space<vmem>>
      %dma_start3A_112 = arith.constant 0 : i32
      %dma_start3A_113 = tpu.memref_slice %arg3[%scan3A_83, %dma_start3A_112] : memref<832x100000xf32, #tpu.memory_space<hbm>> -> memref<1x100000xf32, #tpu.memory_space<hbm>>
      %dma_start3A_114 = tpu.memref_squeeze %dma_start3A_113 : memref<1x100000xf32, #tpu.memory_space<hbm>> -> memref<100000xf32, #tpu.memory_space<hbm>>
      %dma_start3A_115 = arith.constant 0 : i32
      %dma_start3A_116 = tpu.memref_slice %dma_start3A_114[%dma_start3A_115] : memref<100000xf32, #tpu.memory_space<hbm>> -> memref<100000xf32, #tpu.memory_space<hbm>>
      %dma_start3A_117 = tpu.memref_slice %arg8[%rem3A_85] : memref<8x!tpu.dma_semaphore, #tpu.memory_space<semaphore_mem>> -> memref<1x!tpu.dma_semaphore, #tpu.memory_space<semaphore_mem>>
      %dma_start3A_118 = tpu.memref_squeeze %dma_start3A_117 : memref<1x!tpu.dma_semaphore, #tpu.memory_space<semaphore_mem>> -> memref<!tpu.dma_semaphore, #tpu.memory_space<semaphore_mem>>
      tpu.enqueue_indirect_dma source(%dma_start3A_116 : memref<100000xf32, #tpu.memory_space<hbm>>) target(%dma_start3A_106 : memref<256xf32, #tpu.memory_space<vmem>>) offsets(%dma_start3A_111 : memref<256xi32, #tpu.memory_space<vmem>>) semaphore(%dma_start3A_118 : memref<!tpu.dma_semaphore, #tpu.memory_space<semaphore_mem>>)
    }
    %scan3A_7 = arith.constant 8 : i32
    %scan3A_8 = arith.constant 0 : i32
    %scan3A_9 = arith.constant 0 : i32
    %scan3A_10 = arith.constant 832 : i32
    %scan3A_11 = arith.addi %scan3A_9, %scan3A_10 : i32
    %scan3A_12 = arith.constant 1 : i32
    scf.for %scan3A_83 = %scan3A_9 to %scan3A_11 step %scan3A_12  : i32 {
      %rem3A = arith.constant 32 : i32
      %rem3A_84 = arith.remsi %scan3A_83, %rem3A : i32
      %rem3A_85 = arith.constant 8 : i32
      %rem3A_86 = arith.remsi %scan3A_83, %rem3A_85 : i32
      %div3A = arith.constant 32 : i32
      %div3A_87 = arith.divsi %scan3A_83, %div3A : i32
      %eq3A = arith.constant 0 : i32
      %eq3A_88 = arith.cmpi eq, %div3A_87, %eq3A : i32
      %convert_element_type3A = arith.extui %eq3A_88 : i1 to i32
      %cond3A = arith.constant 0 : i32
      %cond3A_89 = arith.cmpi ne, %convert_element_type3A, %cond3A : i32
      scf.if %cond3A_89 {
        %get3A = arith.index_cast %rem3A_86 : i32 to index
        %get3A_96 = arith.constant 0 : index
        %get3A_97 = tpu.vector_load %arg6[%get3A, %get3A_96] {strides = array<i32>} : memref<8x512xf32, #tpu.memory_space<vmem>>, vector<1x16xf32>,
        %get3A_98 = vector.shape_cast %get3A_97 : vector<1x16xf32> to vector<16xf32>
        %swap3A = arith.index_cast %rem3A_84 : i32 to index
        %swap3A_99 = arith.constant 0 : index
        %swap3A_100 = tpu.vector_load %arg7[%swap3A, %swap3A_99] {strides = array<i32>} : memref<32x512xf32, #tpu.memory_space<vmem>>, vector<1x16xf32>,
        %swap3A_101 = vector.shape_cast %swap3A_100 : vector<1x16xf32> to vector<16xf32>
        %swap3A_102 = vector.shape_cast %get3A_98 : vector<16xf32> to vector<1x16xf32>
        tpu.vector_store %arg7[%swap3A, %swap3A_99], %swap3A_102 {strides = array<i32>} : memref<32x512xf32, #tpu.memory_space<vmem>>, vector<1x16xf32>,
        %get3A_103 = arith.index_cast %rem3A_86 : i32 to index
        %get3A_104 = arith.constant 16 : index
        %get3A_105 = tpu.vector_load %arg6[%get3A_103, %get3A_104] {strides = array<i32>} : memref<8x512xf32, #tpu.memory_space<vmem>>, vector<1x16xf32>,
        %get3A_106 = vector.shape_cast %get3A_105 : vector<1x16xf32> to vector<16xf32>
        %swap3A_107 = arith.index_cast %rem3A_84 : i32 to index
        %swap3A_108 = arith.constant 16 : index
        %swap3A_109 = tpu.vector_load %arg7[%swap3A_107, %swap3A_108] {strides = array<i32>} : memref<32x512xf32, #tpu.memory_space<vmem>>, vector<1x16xf32>,
        %swap3A_110 = vector.shape_cast %swap3A_109 : vector<1x16xf32> to vector<16xf32>
        %swap3A_111 = vector.shape_cast %get3A_106 : vector<16xf32> to vector<1x16xf32>
        tpu.vector_store %arg7[%swap3A_107, %swap3A_108], %swap3A_111 {strides = array<i32>} : memref<32x512xf32, #tpu.memory_space<vmem>>, vector<1x16xf32>,
      } else {
      }
      %add3A_90 = arith.constant 8 : i32
      %add3A_91 = arith.addi %scan3A_83, %add3A_90 : i32
      %lt3A = arith.constant 832 : i32
      %lt3A_92 = arith.cmpi slt, %add3A_91, %lt3A : i32
      %convert_element_type3A_93 = arith.extui %lt3A_92 : i1 to i32
      %cond3A_94 = arith.constant 0 : i32
      %cond3A_95 = arith.cmpi ne, %convert_element_type3A_93, %cond3A_94 : i32
      scf.if %cond3A_95 {
        %add3A_96 = arith.constant 8 : i32
        %add3A_97 = arith.addi %scan3A_83, %add3A_96 : i32
        %div3A_98 = arith.constant 32 : i32
        %div3A_99 = arith.divsi %add3A_97, %div3A_98 : i32
        %rem3A_100 = arith.constant 8 : i32
        %rem3A_101 = arith.remsi %add3A_97, %rem3A_100 : i32
        %dma_start3A = arith.constant 0 : i32
        %dma_start3A_102 = tpu.memref_slice %arg6[%rem3A_101, %dma_start3A] : memref<8x512xf32, #tpu.memory_space<vmem>> -> memref<1x512xf32, #tpu.memory_space<vmem>>
        %dma_start3A_103 = tpu.memref_squeeze %dma_start3A_102 : memref<1x512xf32, #tpu.memory_space<vmem>> -> memref<512xf32, #tpu.memory_space<vmem>>
        %dma_start3A_104 = arith.constant 0 : i32
        %dma_start3A_105 = tpu.memref_slice %dma_start3A_103[%dma_start3A_104] : memref<512xf32, #tpu.memory_space<vmem>> -> memref<256xf32, #tpu.memory_space<vmem>>
        %dma_start3A_106 = arith.constant 0 : i32
        %dma_start3A_107 = tpu.memref_slice %arg5[%div3A_99, %dma_start3A_106] : memref<26x512xi32, #tpu.memory_space<vmem>> -> memref<1x512xi32, #tpu.memory_space<vmem>>
        %dma_start3A_108 = tpu.memref_squeeze %dma_start3A_107 : memref<1x512xi32, #tpu.memory_space<vmem>> -> memref<512xi32, #tpu.memory_space<vmem>>
        %dma_start3A_109 = arith.constant 0 : i32
        %dma_start3A_110 = tpu.memref_slice %dma_start3A_108[%dma_start3A_109] : memref<512xi32, #tpu.memory_space<vmem>> -> memref<256xi32, #tpu.memory_space<vmem>>
        %dma_start3A_111 = arith.constant 0 : i32
        %dma_start3A_112 = tpu.memref_slice %arg3[%add3A_97, %dma_start3A_111] : memref<832x100000xf32, #tpu.memory_space<hbm>> -> memref<1x100000xf32, #tpu.memory_space<hbm>>
        %dma_start3A_113 = tpu.memref_squeeze %dma_start3A_112 : memref<1x100000xf32, #tpu.memory_space<hbm>> -> memref<100000xf32, #tpu.memory_space<hbm>>
        %dma_start3A_114 = arith.constant 0 : i32
        %dma_start3A_115 = tpu.memref_slice %dma_start3A_113[%dma_start3A_114] : memref<100000xf32, #tpu.memory_space<hbm>> -> memref<100000xf32, #tpu.memory_space<hbm>>
        %dma_start3A_116 = tpu.memref_slice %arg8[%rem3A_101] : memref<8x!tpu.dma_semaphore, #tpu.memory_space<semaphore_mem>> -> memref<1x!tpu.dma_semaphore, #tpu.memory_space<semaphore_mem>>
        %dma_start3A_117 = tpu.memref_squeeze %dma_start3A_116 : memref<1x!tpu.dma_semaphore, #tpu.memory_space<semaphore_mem>> -> memref<!tpu.dma_semaphore, #tpu.memory_space<semaphore_mem>>
        tpu.enqueue_indirect_dma source(%dma_start3A_115 : memref<100000xf32, #tpu.memory_space<hbm>>) target(%dma_start3A_105 : memref<256xf32, #tpu.memory_space<vmem>>) offsets(%dma_start3A_110 : memref<256xi32, #tpu.memory_space<vmem>>) semaphore(%dma_start3A_117 : memref<!tpu.dma_semaphore, #tpu.memory_space<semaphore_mem>>)
        %dma_start3A_118 = arith.constant 0 : i32
        %dma_start3A_119 = tpu.memref_slice %arg6[%rem3A_101, %dma_start3A_118] : memref<8x512xf32, #tpu.memory_space<vmem>> -> memref<1x512xf32, #tpu.memory_space<vmem>>
        %dma_start3A_120 = tpu.memref_squeeze %dma_start3A_119 : memref<1x512xf32, #tpu.memory_space<vmem>> -> memref<512xf32, #tpu.memory_space<vmem>>
        %dma_start3A_121 = arith.constant 256 : i32
        %dma_start3A_122 = tpu.memref_slice %dma_start3A_120[%dma_start3A_121] : memref<512xf32, #tpu.memory_space<vmem>> -> memref<256xf32, #tpu.memory_space<vmem>>
        %dma_start3A_123 = arith.constant 0 : i32
        %dma_start3A_124 = tpu.memref_slice %arg5[%div3A_99, %dma_start3A_123] : memref<26x512xi32, #tpu.memory_space<vmem>> -> memref<1x512xi32, #tpu.memory_space<vmem>>
        %dma_start3A_125 = tpu.memref_squeeze %dma_start3A_124 : memref<1x512xi32, #tpu.memory_space<vmem>> -> memref<512xi32, #tpu.memory_space<vmem>>
        %dma_start3A_126 = arith.constant 256 : i32
        %dma_start3A_127 = tpu.memref_slice %dma_start3A_125[%dma_start3A_126] : memref<512xi32, #tpu.memory_space<vmem>> -> memref<256xi32, #tpu.memory_space<vmem>>
        %dma_start3A_128 = arith.constant 0 : i32
        %dma_start3A_129 = tpu.memref_slice %arg3[%add3A_97, %dma_start3A_128] : memref<832x100000xf32, #tpu.memory_space<hbm>> -> memref<1x100000xf32, #tpu.memory_space<hbm>>
        %dma_start3A_130 = tpu.memref_squeeze %dma_start3A_129 : memref<1x100000xf32, #tpu.memory_space<hbm>> -> memref<100000xf32, #tpu.memory_space<hbm>>
        %dma_start3A_131 = arith.constant 0 : i32
        %dma_start3A_132 = tpu.memref_slice %dma_start3A_130[%dma_start3A_131] : memref<100000xf32, #tpu.memory_space<hbm>> -> memref<100000xf32, #tpu.memory_space<hbm>>
        %dma_start3A_133 = tpu.memref_slice %arg8[%rem3A_101] : memref<8x!tpu.dma_semaphore, #tpu.memory_space<semaphore_mem>> -> memref<1x!tpu.dma_semaphore, #tpu.memory_space<semaphore_mem>>
        %dma_start3A_134 = tpu.memref_squeeze %dma_start3A_133 : memref<1x!tpu.dma_semaphore, #tpu.memory_space<semaphore_mem>> -> memref<!tpu.dma_semaphore, #tpu.memory_space<semaphore_mem>>
        tpu.enqueue_indirect_dma source(%dma_start3A_132 : memref<100000xf32, #tpu.memory_space<hbm>>) target(%dma_start3A_122 : memref<256xf32, #tpu.memory_space<vmem>>) offsets(%dma_start3A_127 : memref<256xi32, #tpu.memory_space<vmem>>) semaphore(%dma_start3A_134 : memref<!tpu.dma_semaphore, #tpu.memory_space<semaphore_mem>>)
      } else {
      }
    }
    %scan3A_13 = arith.constant 832 : i32
    %scan3A_14 = arith.constant 0 : i32
    %scan3A_15 = arith.constant 0 : i32
    %scan3A_16 = arith.constant 832 : i32
    %scan3A_17 = arith.addi %scan3A_15, %scan3A_16 : i32
    %scan3A_18 = arith.constant 1 : i32
    scf.for %scan3A_83 = %scan3A_15 to %scan3A_17 step %scan3A_18  : i32 {
      %rem3A = arith.constant 8 : i32
      %rem3A_84 = arith.remsi %scan3A_83, %rem3A : i32
      %dma_wait3A = arith.constant 0 : i32
      %dma_wait3A_85 = arith.constant 0 : i32
      %dma_wait3A_86 = arith.constant 0 : i32
      %dma_wait3A_87 = arith.constant 0 : i32
      %dma_wait3A_88 = tpu.memref_slice %arg6[%dma_wait3A_86, %dma_wait3A_87] : memref<8x512xf32, #tpu.memory_space<vmem>> -> memref<1x512xf32, #tpu.memory_space<vmem>>
      %dma_wait3A_89 = tpu.memref_squeeze %dma_wait3A_88 : memref<1x512xf32, #tpu.memory_space<vmem>> -> memref<512xf32, #tpu.memory_space<vmem>>
      %dma_wait3A_90 = arith.constant 0 : i32
      %dma_wait3A_91 = tpu.memref_slice %arg5[%dma_wait3A_85, %dma_wait3A_90] : memref<26x512xi32, #tpu.memory_space<vmem>> -> memref<1x512xi32, #tpu.memory_space<vmem>>
      %dma_wait3A_92 = tpu.memref_squeeze %dma_wait3A_91 : memref<1x512xi32, #tpu.memory_space<vmem>> -> memref<512xi32, #tpu.memory_space<vmem>>
      %dma_wait3A_93 = arith.constant 0 : i32
      %dma_wait3A_94 = tpu.memref_slice %arg3[%dma_wait3A, %dma_wait3A_93] : memref<832x100000xf32, #tpu.memory_space<hbm>> -> memref<1x100000xf32, #tpu.memory_space<hbm>>
      %dma_wait3A_95 = tpu.memref_squeeze %dma_wait3A_94 : memref<1x100000xf32, #tpu.memory_space<hbm>> -> memref<100000xf32, #tpu.memory_space<hbm>>
      %dma_wait3A_96 = arith.constant 0 : i32
      %dma_wait3A_97 = tpu.memref_slice %dma_wait3A_95[%dma_wait3A_96] : memref<100000xf32, #tpu.memory_space<hbm>> -> memref<100000xf32, #tpu.memory_space<hbm>>
      %dma_wait3A_98 = tpu.memref_slice %arg8[%rem3A_84] : memref<8x!tpu.dma_semaphore, #tpu.memory_space<semaphore_mem>> -> memref<1x!tpu.dma_semaphore, #tpu.memory_space<semaphore_mem>>
      %dma_wait3A_99 = tpu.memref_squeeze %dma_wait3A_98 : memref<1x!tpu.dma_semaphore, #tpu.memory_space<semaphore_mem>> -> memref<!tpu.dma_semaphore, #tpu.memory_space<semaphore_mem>>
      tpu.wait_indirect_dma semaphore(%dma_wait3A_99 : memref<!tpu.dma_semaphore, #tpu.memory_space<semaphore_mem>>) src(%dma_wait3A_97 : memref<100000xf32, #tpu.memory_space<hbm>>) dst(%dma_wait3A_89 : memref<512xf32, #tpu.memory_space<vmem>>)
    }
    %scan3A_19 = arith.constant 832 : i32
    %run_scoped3A = arith.constant 0 : i32
    %run_scoped3A_20 = arith.constant 0 : i32
    "tpu.region"() ({
      %run_scoped3A_83 = tpu.sem_alloc : memref<!tpu.dma_semaphore, #tpu.memory_space<semaphore_mem>>
      %dma_start3A = arith.constant 0 : i32
      %dma_start3A_84 = tpu.memref_slice %arg7[%run_scoped3A, %dma_start3A] : memref<32x512xf32, #tpu.memory_space<vmem>> -> memref<1x512xf32, #tpu.memory_space<vmem>>
      %dma_start3A_85 = tpu.memref_squeeze %dma_start3A_84 : memref<1x512xf32, #tpu.memory_space<vmem>> -> memref<512xf32, #tpu.memory_space<vmem>>
      %dma_start3A_86 = arith.constant 0 : i32
      %dma_start3A_87 = tpu.memref_slice %arg4[%run_scoped3A_20, %dma_start3A_86] : memref<32x16384xf32, #tpu.memory_space<hbm>> -> memref<1x16384xf32, #tpu.memory_space<hbm>>
      %dma_start3A_88 = tpu.memref_squeeze %dma_start3A_87 : memref<1x16384xf32, #tpu.memory_space<hbm>> -> memref<16384xf32, #tpu.memory_space<hbm>>
      %dma_start3A_89 = tpu.memref_slice %dma_start3A_88[%mul3A_2] : memref<16384xf32, #tpu.memory_space<hbm>> -> memref<512xf32, #tpu.memory_space<hbm>>
      %dma_start3A_90 = arith.constant 0 : i32
      %dma_start3A_91 = tpu.memref_slice %arg4[%run_scoped3A_20, %dma_start3A_90] : memref<32x16384xf32, #tpu.memory_space<hbm>> -> memref<1x16384xf32, #tpu.memory_space<hbm>>
      %dma_start3A_92 = tpu.memref_squeeze %dma_start3A_91 : memref<1x16384xf32, #tpu.memory_space<hbm>> -> memref<16384xf32, #tpu.memory_space<hbm>>
      %dma_start3A_93 = tpu.memref_slice %dma_start3A_92[%mul3A_2] : memref<16384xf32, #tpu.memory_space<hbm>> -> memref<512xf32, #tpu.memory_space<hbm>>
      %dma_start3A_94 = arith.constant 0 : i32
      %dma_start3A_95 = tpu.memref_slice %arg7[%run_scoped3A, %dma_start3A_94] : memref<32x512xf32, #tpu.memory_space<vmem>> -> memref<1x512xf32, #tpu.memory_space<vmem>>
      %dma_start3A_96 = tpu.memref_squeeze %dma_start3A_95 : memref<1x512xf32, #tpu.memory_space<vmem>> -> memref<512xf32, #tpu.memory_space<vmem>>
      tpu.enqueue_dma source(%dma_start3A_96 : memref<512xf32, #tpu.memory_space<vmem>>) target(%dma_start3A_93 : memref<512xf32, #tpu.memory_space<hbm>>) target_semaphore(%run_scoped3A_83 : memref<!tpu.dma_semaphore, #tpu.memory_space<semaphore_mem>>)
      %dma_wait3A = arith.constant 0 : i32
      %dma_wait3A_97 = tpu.memref_slice %arg7[%run_scoped3A, %dma_wait3A] : memref<32x512xf32, #tpu.memory_space<vmem>> -> memref<1x512xf32, #tpu.memory_space<vmem>>
      %dma_wait3A_98 = tpu.memref_squeeze %dma_wait3A_97 : memref<1x512xf32, #tpu.memory_space<vmem>> -> memref<512xf32, #tpu.memory_space<vmem>>
      %dma_wait3A_99 = arith.constant 0 : i32
      %dma_wait3A_100 = tpu.memref_slice %arg4[%run_scoped3A_20, %dma_wait3A_99] : memref<32x16384xf32, #tpu.memory_space<hbm>> -> memref<1x16384xf32, #tpu.memory_space<hbm>>
      %dma_wait3A_101 = tpu.memref_squeeze %dma_wait3A_100 : memref<1x16384xf32, #tpu.memory_space<hbm>> -> memref<16384xf32, #tpu.memory_space<hbm>>
      %dma_wait3A_102 = tpu.memref_slice %dma_wait3A_101[%mul3A_2] : memref<16384xf32, #tpu.memory_space<hbm>> -> memref<512xf32, #tpu.memory_space<hbm>>
      %dma_wait3A_103 = arith.constant 0 : i32
      %dma_wait3A_104 = tpu.memref_slice %arg4[%run_scoped3A_20, %dma_wait3A_103] : memref<32x16384xf32, #tpu.memory_space<hbm>> -> memref<1x16384xf32, #tpu.memory_space<hbm>>
      %dma_wait3A_105 = tpu.memref_squeeze %dma_wait3A_104 : memref<1x16384xf32, #tpu.memory_space<hbm>> -> memref<16384xf32, #tpu.memory_space<hbm>>
      %dma_wait3A_106 = tpu.memref_slice %dma_wait3A_105[%mul3A_2] : memref<16384xf32, #tpu.memory_space<hbm>> -> memref<512xf32, #tpu.memory_space<hbm>>
      %dma_wait3A_107 = arith.constant 0 : i32
      %dma_wait3A_108 = tpu.memref_slice %arg7[%run_scoped3A, %dma_wait3A_107] : memref<32x512xf32, #tpu.memory_space<vmem>> -> memref<1x512xf32, #tpu.memory_space<vmem>>
      %dma_wait3A_109 = tpu.memref_squeeze %dma_wait3A_108 : memref<1x512xf32, #tpu.memory_space<vmem>> -> memref<512xf32, #tpu.memory_space<vmem>>
      tpu.wait_dma2 semaphore(%run_scoped3A_83 : memref<!tpu.dma_semaphore, #tpu.memory_space<semaphore_mem>>) src(%dma_wait3A_109 : memref<512xf32, #tpu.memory_space<vmem>>) dst(%dma_wait3A_106 : memref<512xf32, #tpu.memory_space<hbm>>)
      tpu.yield
    }) : () -> ()
    %run_scoped3A_21 = arith.constant 1 : i32
    %run_scoped3A_22 = arith.constant 1 : i32
    "tpu.region"() ({
      %run_scoped3A_83 = tpu.sem_alloc : memref<!tpu.dma_semaphore, #tpu.memory_space<semaphore_mem>>
      %dma_start3A = arith.constant 0 : i32
      %dma_start3A_84 = tpu.memref_slice %arg7[%run_scoped3A_21, %dma_start3A] : memref<32x512xf32, #tpu.memory_space<vmem>> -> memref<1x512xf32, #tpu.memory_space<vmem>>
      %dma_start3A_85 = tpu.memref_squeeze %dma_start3A_84 : memref<1x512xf32, #tpu.memory_space<vmem>> -> memref<512xf32, #tpu.memory_space<vmem>>
      %dma_start3A_86 = arith.constant 0 : i32
      %dma_start3A_87 = tpu.memref_slice %arg4[%run_scoped3A_22, %dma_start3A_86] : memref<32x16384xf32, #tpu.memory_space<hbm>> -> memref<1x16384xf32, #tpu.memory_space<hbm>>
      %dma_start3A_88 = tpu.memref_squeeze %dma_start3A_87 : memref<1x16384xf32, #tpu.memory_space<hbm>> -> memref<16384xf32, #tpu.memory_space<hbm>>
      %dma_start3A_89 = tpu.memref_slice %dma_start3A_88[%mul3A_2] : memref<16384xf32, #tpu.memory_space<hbm>> -> memref<512xf32, #tpu.memory_space<hbm>>
      %dma_start3A_90 = arith.constant 0 : i32
      %dma_start3A_91 = tpu.memref_slice %arg4[%run_scoped3A_22, %dma_start3A_90] : memref<32x16384xf32, #tpu.memory_space<hbm>> -> memref<1x16384xf32, #tpu.memory_space<hbm>>
      %dma_start3A_92 = tpu.memref_squeeze %dma_start3A_91 : memref<1x16384xf32, #tpu.memory_space<hbm>> -> memref<16384xf32, #tpu.memory_space<hbm>>
      %dma_start3A_93 = tpu.memref_slice %dma_start3A_92[%mul3A_2] : memref<16384xf32, #tpu.memory_space<hbm>> -> memref<512xf32, #tpu.memory_space<hbm>>
      %dma_start3A_94 = arith.constant 0 : i32
      %dma_start3A_95 = tpu.memref_slice %arg7[%run_scoped3A_21, %dma_start3A_94] : memref<32x512xf32, #tpu.memory_space<vmem>> -> memref<1x512xf32, #tpu.memory_space<vmem>>
      %dma_start3A_96 = tpu.memref_squeeze %dma_start3A_95 : memref<1x512xf32, #tpu.memory_space<vmem>> -> memref<512xf32, #tpu.memory_space<vmem>>
      tpu.enqueue_dma source(%dma_start3A_96 : memref<512xf32, #tpu.memory_space<vmem>>) target(%dma_start3A_93 : memref<512xf32, #tpu.memory_space<hbm>>) target_semaphore(%run_scoped3A_83 : memref<!tpu.dma_semaphore, #tpu.memory_space<semaphore_mem>>)
      %dma_wait3A = arith.constant 0 : i32
      %dma_wait3A_97 = tpu.memref_slice %arg7[%run_scoped3A_21, %dma_wait3A] : memref<32x512xf32, #tpu.memory_space<vmem>> -> memref<1x512xf32, #tpu.memory_space<vmem>>
      %dma_wait3A_98 = tpu.memref_squeeze %dma_wait3A_97 : memref<1x512xf32, #tpu.memory_space<vmem>> -> memref<512xf32, #tpu.memory_space<vmem>>
      %dma_wait3A_99 = arith.constant 0 : i32
      %dma_wait3A_100 = tpu.memref_slice %arg4[%run_scoped3A_22, %dma_wait3A_99] : memref<32x16384xf32, #tpu.memory_space<hbm>> -> memref<1x16384xf32, #tpu.memory_space<hbm>>
      %dma_wait3A_101 = tpu.memref_squeeze %dma_wait3A_100 : memref<1x16384xf32, #tpu.memory_space<hbm>> -> memref<16384xf32, #tpu.memory_space<hbm>>
      %dma_wait3A_102 = tpu.memref_slice %dma_wait3A_101[%mul3A_2] : memref<16384xf32, #tpu.memory_space<hbm>> -> memref<512xf32, #tpu.memory_space<hbm>>
      %dma_wait3A_103 = arith.constant 0 : i32
      %dma_wait3A_104 = tpu.memref_slice %arg4[%run_scoped3A_22, %dma_wait3A_103] : memref<32x16384xf32, #tpu.memory_space<hbm>> -> memref<1x16384xf32, #tpu.memory_space<hbm>>
      %dma_wait3A_105 = tpu.memref_squeeze %dma_wait3A_104 : memref<1x16384xf32, #tpu.memory_space<hbm>> -> memref<16384xf32, #tpu.memory_space<hbm>>
      %dma_wait3A_106 = tpu.memref_slice %dma_wait3A_105[%mul3A_2] : memref<16384xf32, #tpu.memory_space<hbm>> -> memref<512xf32, #tpu.memory_space<hbm>>
      %dma_wait3A_107 = arith.constant 0 : i32
      %dma_wait3A_108 = tpu.memref_slice %arg7[%run_scoped3A_21, %dma_wait3A_107] : memref<32x512xf32, #tpu.memory_space<vmem>> -> memref<1x512xf32, #tpu.memory_space<vmem>>
      %dma_wait3A_109 = tpu.memref_squeeze %dma_wait3A_108 : memref<1x512xf32, #tpu.memory_space<vmem>> -> memref<512xf32, #tpu.memory_space<vmem>>
      tpu.wait_dma2 semaphore(%run_scoped3A_83 : memref<!tpu.dma_semaphore, #tpu.memory_space<semaphore_mem>>) src(%dma_wait3A_109 : memref<512xf32, #tpu.memory_space<vmem>>) dst(%dma_wait3A_106 : memref<512xf32, #tpu.memory_space<hbm>>)
      tpu.yield
    }) : () -> ()
    %run_scoped3A_23 = arith.constant 2 : i32
    %run_scoped3A_24 = arith.constant 2 : i32
    "tpu.region"() ({
      %run_scoped3A_83 = tpu.sem_alloc : memref<!tpu.dma_semaphore, #tpu.memory_space<semaphore_mem>>
      %dma_start3A = arith.constant 0 : i32
      %dma_start3A_84 = tpu.memref_slice %arg7[%run_scoped3A_23, %dma_start3A] : memref<32x512xf32, #tpu.memory_space<vmem>> -> memref<1x512xf32, #tpu.memory_space<vmem>>
      %dma_start3A_85 = tpu.memref_squeeze %dma_start3A_84 : memref<1x512xf32, #tpu.memory_space<vmem>> -> memref<512xf32, #tpu.memory_space<vmem>>
      %dma_start3A_86 = arith.constant 0 : i32
      %dma_start3A_87 = tpu.memref_slice %arg4[%run_scoped3A_24, %dma_start3A_86] : memref<32x16384xf32, #tpu.memory_space<hbm>> -> memref<1x16384xf32, #tpu.memory_space<hbm>>
      %dma_start3A_88 = tpu.memref_squeeze %dma_start3A_87 : memref<1x16384xf32, #tpu.memory_space<hbm>> -> memref<16384xf32, #tpu.memory_space<hbm>>
      %dma_start3A_89 = tpu.memref_slice %dma_start3A_88[%mul3A_2] : memref<16384xf32, #tpu.memory_space<hbm>> -> memref<512xf32, #tpu.memory_space<hbm>>
      %dma_start3A_90 = arith.constant 0 : i32
      %dma_start3A_91 = tpu.memref_slice %arg4[%run_scoped3A_24, %dma_start3A_90] : memref<32x16384xf32, #tpu.memory_space<hbm>> -> memref<1x16384xf32, #tpu.memory_space<hbm>>
      %dma_start3A_92 = tpu.memref_squeeze %dma_start3A_91 : memref<1x16384xf32, #tpu.memory_space<hbm>> -> memref<16384xf32, #tpu.memory_space<hbm>>
      %dma_start3A_93 = tpu.memref_slice %dma_start3A_92[%mul3A_2] : memref<16384xf32, #tpu.memory_space<hbm>> -> memref<512xf32, #tpu.memory_space<hbm>>
      %dma_start3A_94 = arith.constant 0 : i32
      %dma_start3A_95 = tpu.memref_slice %arg7[%run_scoped3A_23, %dma_start3A_94] : memref<32x512xf32, #tpu.memory_space<vmem>> -> memref<1x512xf32, #tpu.memory_space<vmem>>
      %dma_start3A_96 = tpu.memref_squeeze %dma_start3A_95 : memref<1x512xf32, #tpu.memory_space<vmem>> -> memref<512xf32, #tpu.memory_space<vmem>>
      tpu.enqueue_dma source(%dma_start3A_96 : memref<512xf32, #tpu.memory_space<vmem>>) target(%dma_start3A_93 : memref<512xf32, #tpu.memory_space<hbm>>) target_semaphore(%run_scoped3A_83 : memref<!tpu.dma_semaphore, #tpu.memory_space<semaphore_mem>>)
      %dma_wait3A = arith.constant 0 : i32
      %dma_wait3A_97 = tpu.memref_slice %arg7[%run_scoped3A_23, %dma_wait3A] : memref<32x512xf32, #tpu.memory_space<vmem>> -> memref<1x512xf32, #tpu.memory_space<vmem>>
      %dma_wait3A_98 = tpu.memref_squeeze %dma_wait3A_97 : memref<1x512xf32, #tpu.memory_space<vmem>> -> memref<512xf32, #tpu.memory_space<vmem>>
      %dma_wait3A_99 = arith.constant 0 : i32
      %dma_wait3A_100 = tpu.memref_slice %arg4[%run_scoped3A_24, %dma_wait3A_99] : memref<32x16384xf32, #tpu.memory_space<hbm>> -> memref<1x16384xf32, #tpu.memory_space<hbm>>
      %dma_wait3A_101 = tpu.memref_squeeze %dma_wait3A_100 : memref<1x16384xf32, #tpu.memory_space<hbm>> -> memref<16384xf32, #tpu.memory_space<hbm>>
      %dma_wait3A_102 = tpu.memref_slice %dma_wait3A_101[%mul3A_2] : memref<16384xf32, #tpu.memory_space<hbm>> -> memref<512xf32, #tpu.memory_space<hbm>>
      %dma_wait3A_103 = arith.constant 0 : i32
      %dma_wait3A_104 = tpu.memref_slice %arg4[%run_scoped3A_24, %dma_wait3A_103] : memref<32x16384xf32, #tpu.memory_space<hbm>> -> memref<1x16384xf32, #tpu.memory_space<hbm>>
      %dma_wait3A_105 = tpu.memref_squeeze %dma_wait3A_104 : memref<1x16384xf32, #tpu.memory_space<hbm>> -> memref<16384xf32, #tpu.memory_space<hbm>>
      %dma_wait3A_106 = tpu.memref_slice %dma_wait3A_105[%mul3A_2] : memref<16384xf32, #tpu.memory_space<hbm>> -> memref<512xf32, #tpu.memory_space<hbm>>
      %dma_wait3A_107 = arith.constant 0 : i32
      %dma_wait3A_108 = tpu.memref_slice %arg7[%run_scoped3A_23, %dma_wait3A_107] : memref<32x512xf32, #tpu.memory_space<vmem>> -> memref<1x512xf32, #tpu.memory_space<vmem>>
      %dma_wait3A_109 = tpu.memref_squeeze %dma_wait3A_108 : memref<1x512xf32, #tpu.memory_space<vmem>> -> memref<512xf32, #tpu.memory_space<vmem>>
      tpu.wait_dma2 semaphore(%run_scoped3A_83 : memref<!tpu.dma_semaphore, #tpu.memory_space<semaphore_mem>>) src(%dma_wait3A_109 : memref<512xf32, #tpu.memory_space<vmem>>) dst(%dma_wait3A_106 : memref<512xf32, #tpu.memory_space<hbm>>)
      tpu.yield
    }) : () -> ()
    %run_scoped3A_25 = arith.constant 3 : i32
    %run_scoped3A_26 = arith.constant 3 : i32
    "tpu.region"() ({
      %run_scoped3A_83 = tpu.sem_alloc : memref<!tpu.dma_semaphore, #tpu.memory_space<semaphore_mem>>
      %dma_start3A = arith.constant 0 : i32
      %dma_start3A_84 = tpu.memref_slice %arg7[%run_scoped3A_25, %dma_start3A] : memref<32x512xf32, #tpu.memory_space<vmem>> -> memref<1x512xf32, #tpu.memory_space<vmem>>
      %dma_start3A_85 = tpu.memref_squeeze %dma_start3A_84 : memref<1x512xf32, #tpu.memory_space<vmem>> -> memref<512xf32, #tpu.memory_space<vmem>>
      %dma_start3A_86 = arith.constant 0 : i32
      %dma_start3A_87 = tpu.memref_slice %arg4[%run_scoped3A_26, %dma_start3A_86] : memref<32x16384xf32, #tpu.memory_space<hbm>> -> memref<1x16384xf32, #tpu.memory_space<hbm>>
      %dma_start3A_88 = tpu.memref_squeeze %dma_start3A_87 : memref<1x16384xf32, #tpu.memory_space<hbm>> -> memref<16384xf32, #tpu.memory_space<hbm>>
      %dma_start3A_89 = tpu.memref_slice %dma_start3A_88[%mul3A_2] : memref<16384xf32, #tpu.memory_space<hbm>> -> memref<512xf32, #tpu.memory_space<hbm>>
      %dma_start3A_90 = arith.constant 0 : i32
      %dma_start3A_91 = tpu.memref_slice %arg4[%run_scoped3A_26, %dma_start3A_90] : memref<32x16384xf32, #tpu.memory_space<hbm>> -> memref<1x16384xf32, #tpu.memory_space<hbm>>
      %dma_start3A_92 = tpu.memref_squeeze %dma_start3A_91 : memref<1x16384xf32, #tpu.memory_space<hbm>> -> memref<16384xf32, #tpu.memory_space<hbm>>
      %dma_start3A_93 = tpu.memref_slice %dma_start3A_92[%mul3A_2] : memref<16384xf32, #tpu.memory_space<hbm>> -> memref<512xf32, #tpu.memory_space<hbm>>
      %dma_start3A_94 = arith.constant 0 : i32
      %dma_start3A_95 = tpu.memref_slice %arg7[%run_scoped3A_25, %dma_start3A_94] : memref<32x512xf32, #tpu.memory_space<vmem>> -> memref<1x512xf32, #tpu.memory_space<vmem>>
      %dma_start3A_96 = tpu.memref_squeeze %dma_start3A_95 : memref<1x512xf32, #tpu.memory_space<vmem>> -> memref<512xf32, #tpu.memory_space<vmem>>
      tpu.enqueue_dma source(%dma_start3A_96 : memref<512xf32, #tpu.memory_space<vmem>>) target(%dma_start3A_93 : memref<512xf32, #tpu.memory_space<hbm>>) target_semaphore(%run_scoped3A_83 : memref<!tpu.dma_semaphore, #tpu.memory_space<semaphore_mem>>)
      %dma_wait3A = arith.constant 0 : i32
      %dma_wait3A_97 = tpu.memref_slice %arg7[%run_scoped3A_25, %dma_wait3A] : memref<32x512xf32, #tpu.memory_space<vmem>> -> memref<1x512xf32, #tpu.memory_space<vmem>>
      %dma_wait3A_98 = tpu.memref_squeeze %dma_wait3A_97 : memref<1x512xf32, #tpu.memory_space<vmem>> -> memref<512xf32, #tpu.memory_space<vmem>>
      %dma_wait3A_99 = arith.constant 0 : i32
      %dma_wait3A_100 = tpu.memref_slice %arg4[%run_scoped3A_26, %dma_wait3A_99] : memref<32x16384xf32, #tpu.memory_space<hbm>> -> memref<1x16384xf32, #tpu.memory_space<hbm>>
      %dma_wait3A_101 = tpu.memref_squeeze %dma_wait3A_100 : memref<1x16384xf32, #tpu.memory_space<hbm>> -> memref<16384xf32, #tpu.memory_space<hbm>>
      %dma_wait3A_102 = tpu.memref_slice %dma_wait3A_101[%mul3A_2] : memref<16384xf32, #tpu.memory_space<hbm>> -> memref<512xf32, #tpu.memory_space<hbm>>
      %dma_wait3A_103 = arith.constant 0 : i32
      %dma_wait3A_104 = tpu.memref_slice %arg4[%run_scoped3A_26, %dma_wait3A_103] : memref<32x16384xf32, #tpu.memory_space<hbm>> -> memref<1x16384xf32, #tpu.memory_space<hbm>>
      %dma_wait3A_105 = tpu.memref_squeeze %dma_wait3A_104 : memref<1x16384xf32, #tpu.memory_space<hbm>> -> memref<16384xf32, #tpu.memory_space<hbm>>
      %dma_wait3A_106 = tpu.memref_slice %dma_wait3A_105[%mul3A_2] : memref<16384xf32, #tpu.memory_space<hbm>> -> memref<512xf32, #tpu.memory_space<hbm>>
      %dma_wait3A_107 = arith.constant 0 : i32
      %dma_wait3A_108 = tpu.memref_slice %arg7[%run_scoped3A_25, %dma_wait3A_107] : memref<32x512xf32, #tpu.memory_space<vmem>> -> memref<1x512xf32, #tpu.memory_space<vmem>>
      %dma_wait3A_109 = tpu.memref_squeeze %dma_wait3A_108 : memref<1x512xf32, #tpu.memory_space<vmem>> -> memref<512xf32, #tpu.memory_space<vmem>>
      tpu.wait_dma2 semaphore(%run_scoped3A_83 : memref<!tpu.dma_semaphore, #tpu.memory_space<semaphore_mem>>) src(%dma_wait3A_109 : memref<512xf32, #tpu.memory_space<vmem>>) dst(%dma_wait3A_106 : memref<512xf32, #tpu.memory_space<hbm>>)
      tpu.yield
    }) : () -> ()
    %run_scoped3A_27 = arith.constant 4 : i32
    %run_scoped3A_28 = arith.constant 4 : i32
    "tpu.region"() ({
      %run_scoped3A_83 = tpu.sem_alloc : memref<!tpu.dma_semaphore, #tpu.memory_space<semaphore_mem>>
      %dma_start3A = arith.constant 0 : i32
      %dma_start3A_84 = tpu.memref_slice %arg7[%run_scoped3A_27, %dma_start3A] : memref<32x512xf32, #tpu.memory_space<vmem>> -> memref<1x512xf32, #tpu.memory_space<vmem>>
      %dma_start3A_85 = tpu.memref_squeeze %dma_start3A_84 : memref<1x512xf32, #tpu.memory_space<vmem>> -> memref<512xf32, #tpu.memory_space<vmem>>
      %dma_start3A_86 = arith.constant 0 : i32
      %dma_start3A_87 = tpu.memref_slice %arg4[%run_scoped3A_28, %dma_start3A_86] : memref<32x16384xf32, #tpu.memory_space<hbm>> -> memref<1x16384xf32, #tpu.memory_space<hbm>>
      %dma_start3A_88 = tpu.memref_squeeze %dma_start3A_87 : memref<1x16384xf32, #tpu.memory_space<hbm>> -> memref<16384xf32, #tpu.memory_space<hbm>>
      %dma_start3A_89 = tpu.memref_slice %dma_start3A_88[%mul3A_2] : memref<16384xf32, #tpu.memory_space<hbm>> -> memref<512xf32, #tpu.memory_space<hbm>>
      %dma_start3A_90 = arith.constant 0 : i32
      %dma_start3A_91 = tpu.memref_slice %arg4[%run_scoped3A_28, %dma_start3A_90] : memref<32x16384xf32, #tpu.memory_space<hbm>> -> memref<1x16384xf32, #tpu.memory_space<hbm>>
      %dma_start3A_92 = tpu.memref_squeeze %dma_start3A_91 : memref<1x16384xf32, #tpu.memory_space<hbm>> -> memref<16384xf32, #tpu.memory_space<hbm>>
      %dma_start3A_93 = tpu.memref_slice %dma_start3A_92[%mul3A_2] : memref<16384xf32, #tpu.memory_space<hbm>> -> memref<512xf32, #tpu.memory_space<hbm>>
      %dma_start3A_94 = arith.constant 0 : i32
      %dma_start3A_95 = tpu.memref_slice %arg7[%run_scoped3A_27, %dma_start3A_94] : memref<32x512xf32, #tpu.memory_space<vmem>> -> memref<1x512xf32, #tpu.memory_space<vmem>>
      %dma_start3A_96 = tpu.memref_squeeze %dma_start3A_95 : memref<1x512xf32, #tpu.memory_space<vmem>> -> memref<512xf32, #tpu.memory_space<vmem>>
      tpu.enqueue_dma source(%dma_start3A_96 : memref<512xf32, #tpu.memory_space<vmem>>) target(%dma_start3A_93 : memref<512xf32, #tpu.memory_space<hbm>>) target_semaphore(%run_scoped3A_83 : memref<!tpu.dma_semaphore, #tpu.memory_space<semaphore_mem>>)
      %dma_wait3A = arith.constant 0 : i32
      %dma_wait3A_97 = tpu.memref_slice %arg7[%run_scoped3A_27, %dma_wait3A] : memref<32x512xf32, #tpu.memory_space<vmem>> -> memref<1x512xf32, #tpu.memory_space<vmem>>
      %dma_wait3A_98 = tpu.memref_squeeze %dma_wait3A_97 : memref<1x512xf32, #tpu.memory_space<vmem>> -> memref<512xf32, #tpu.memory_space<vmem>>
      %dma_wait3A_99 = arith.constant 0 : i32
      %dma_wait3A_100 = tpu.memref_slice %arg4[%run_scoped3A_28, %dma_wait3A_99] : memref<32x16384xf32, #tpu.memory_space<hbm>> -> memref<1x16384xf32, #tpu.memory_space<hbm>>
      %dma_wait3A_101 = tpu.memref_squeeze %dma_wait3A_100 : memref<1x16384xf32, #tpu.memory_space<hbm>> -> memref<16384xf32, #tpu.memory_space<hbm>>
      %dma_wait3A_102 = tpu.memref_slice %dma_wait3A_101[%mul3A_2] : memref<16384xf32, #tpu.memory_space<hbm>> -> memref<512xf32, #tpu.memory_space<hbm>>
      %dma_wait3A_103 = arith.constant 0 : i32
      %dma_wait3A_104 = tpu.memref_slice %arg4[%run_scoped3A_28, %dma_wait3A_103] : memref<32x16384xf32, #tpu.memory_space<hbm>> -> memref<1x16384xf32, #tpu.memory_space<hbm>>
      %dma_wait3A_105 = tpu.memref_squeeze %dma_wait3A_104 : memref<1x16384xf32, #tpu.memory_space<hbm>> -> memref<16384xf32, #tpu.memory_space<hbm>>
      %dma_wait3A_106 = tpu.memref_slice %dma_wait3A_105[%mul3A_2] : memref<16384xf32, #tpu.memory_space<hbm>> -> memref<512xf32, #tpu.memory_space<hbm>>
      %dma_wait3A_107 = arith.constant 0 : i32
      %dma_wait3A_108 = tpu.memref_slice %arg7[%run_scoped3A_27, %dma_wait3A_107] : memref<32x512xf32, #tpu.memory_space<vmem>> -> memref<1x512xf32, #tpu.memory_space<vmem>>
      %dma_wait3A_109 = tpu.memref_squeeze %dma_wait3A_108 : memref<1x512xf32, #tpu.memory_space<vmem>> -> memref<512xf32, #tpu.memory_space<vmem>>
      tpu.wait_dma2 semaphore(%run_scoped3A_83 : memref<!tpu.dma_semaphore, #tpu.memory_space<semaphore_mem>>) src(%dma_wait3A_109 : memref<512xf32, #tpu.memory_space<vmem>>) dst(%dma_wait3A_106 : memref<512xf32, #tpu.memory_space<hbm>>)
      tpu.yield
    }) : () -> ()
    %run_scoped3A_29 = arith.constant 5 : i32
    %run_scoped3A_30 = arith.constant 5 : i32
    "tpu.region"() ({
      %run_scoped3A_83 = tpu.sem_alloc : memref<!tpu.dma_semaphore, #tpu.memory_space<semaphore_mem>>
      %dma_start3A = arith.constant 0 : i32
      %dma_start3A_84 = tpu.memref_slice %arg7[%run_scoped3A_29, %dma_start3A] : memref<32x512xf32, #tpu.memory_space<vmem>> -> memref<1x512xf32, #tpu.memory_space<vmem>>
      %dma_start3A_85 = tpu.memref_squeeze %dma_start3A_84 : memref<1x512xf32, #tpu.memory_space<vmem>> -> memref<512xf32, #tpu.memory_space<vmem>>
      %dma_start3A_86 = arith.constant 0 : i32
      %dma_start3A_87 = tpu.memref_slice %arg4[%run_scoped3A_30, %dma_start3A_86] : memref<32x16384xf32, #tpu.memory_space<hbm>> -> memref<1x16384xf32, #tpu.memory_space<hbm>>
      %dma_start3A_88 = tpu.memref_squeeze %dma_start3A_87 : memref<1x16384xf32, #tpu.memory_space<hbm>> -> memref<16384xf32, #tpu.memory_space<hbm>>
      %dma_start3A_89 = tpu.memref_slice %dma_start3A_88[%mul3A_2] : memref<16384xf32, #tpu.memory_space<hbm>> -> memref<512xf32, #tpu.memory_space<hbm>>
      %dma_start3A_90 = arith.constant 0 : i32
      %dma_start3A_91 = tpu.memref_slice %arg4[%run_scoped3A_30, %dma_start3A_90] : memref<32x16384xf32, #tpu.memory_space<hbm>> -> memref<1x16384xf32, #tpu.memory_space<hbm>>
      %dma_start3A_92 = tpu.memref_squeeze %dma_start3A_91 : memref<1x16384xf32, #tpu.memory_space<hbm>> -> memref<16384xf32, #tpu.memory_space<hbm>>
      %dma_start3A_93 = tpu.memref_slice %dma_start3A_92[%mul3A_2] : memref<16384xf32, #tpu.memory_space<hbm>> -> memref<512xf32, #tpu.memory_space<hbm>>
      %dma_start3A_94 = arith.constant 0 : i32
      %dma_start3A_95 = tpu.memref_slice %arg7[%run_scoped3A_29, %dma_start3A_94] : memref<32x512xf32, #tpu.memory_space<vmem>> -> memref<1x512xf32, #tpu.memory_space<vmem>>
      %dma_start3A_96 = tpu.memref_squeeze %dma_start3A_95 : memref<1x512xf32, #tpu.memory_space<vmem>> -> memref<512xf32, #tpu.memory_space<vmem>>
      tpu.enqueue_dma source(%dma_start3A_96 : memref<512xf32, #tpu.memory_space<vmem>>) target(%dma_start3A_93 : memref<512xf32, #tpu.memory_space<hbm>>) target_semaphore(%run_scoped3A_83 : memref<!tpu.dma_semaphore, #tpu.memory_space<semaphore_mem>>)
      %dma_wait3A = arith.constant 0 : i32
      %dma_wait3A_97 = tpu.memref_slice %arg7[%run_scoped3A_29, %dma_wait3A] : memref<32x512xf32, #tpu.memory_space<vmem>> -> memref<1x512xf32, #tpu.memory_space<vmem>>
      %dma_wait3A_98 = tpu.memref_squeeze %dma_wait3A_97 : memref<1x512xf32, #tpu.memory_space<vmem>> -> memref<512xf32, #tpu.memory_space<vmem>>
      %dma_wait3A_99 = arith.constant 0 : i32
      %dma_wait3A_100 = tpu.memref_slice %arg4[%run_scoped3A_30, %dma_wait3A_99] : memref<32x16384xf32, #tpu.memory_space<hbm>> -> memref<1x16384xf32, #tpu.memory_space<hbm>>
      %dma_wait3A_101 = tpu.memref_squeeze %dma_wait3A_100 : memref<1x16384xf32, #tpu.memory_space<hbm>> -> memref<16384xf32, #tpu.memory_space<hbm>>
      %dma_wait3A_102 = tpu.memref_slice %dma_wait3A_101[%mul3A_2] : memref<16384xf32, #tpu.memory_space<hbm>> -> memref<512xf32, #tpu.memory_space<hbm>>
      %dma_wait3A_103 = arith.constant 0 : i32
      %dma_wait3A_104 = tpu.memref_slice %arg4[%run_scoped3A_30, %dma_wait3A_103] : memref<32x16384xf32, #tpu.memory_space<hbm>> -> memref<1x16384xf32, #tpu.memory_space<hbm>>
      %dma_wait3A_105 = tpu.memref_squeeze %dma_wait3A_104 : memref<1x16384xf32, #tpu.memory_space<hbm>> -> memref<16384xf32, #tpu.memory_space<hbm>>
      %dma_wait3A_106 = tpu.memref_slice %dma_wait3A_105[%mul3A_2] : memref<16384xf32, #tpu.memory_space<hbm>> -> memref<512xf32, #tpu.memory_space<hbm>>
      %dma_wait3A_107 = arith.constant 0 : i32
      %dma_wait3A_108 = tpu.memref_slice %arg7[%run_scoped3A_29, %dma_wait3A_107] : memref<32x512xf32, #tpu.memory_space<vmem>> -> memref<1x512xf32, #tpu.memory_space<vmem>>
      %dma_wait3A_109 = tpu.memref_squeeze %dma_wait3A_108 : memref<1x512xf32, #tpu.memory_space<vmem>> -> memref<512xf32, #tpu.memory_space<vmem>>
      tpu.wait_dma2 semaphore(%run_scoped3A_83 : memref<!tpu.dma_semaphore, #tpu.memory_space<semaphore_mem>>) src(%dma_wait3A_109 : memref<512xf32, #tpu.memory_space<vmem>>) dst(%dma_wait3A_106 : memref<512xf32, #tpu.memory_space<hbm>>)
      tpu.yield
    }) : () -> ()
    %run_scoped3A_31 = arith.constant 6 : i32
    %run_scoped3A_32 = arith.constant 6 : i32
    "tpu.region"() ({
      %run_scoped3A_83 = tpu.sem_alloc : memref<!tpu.dma_semaphore, #tpu.memory_space<semaphore_mem>>
      %dma_start3A = arith.constant 0 : i32
      %dma_start3A_84 = tpu.memref_slice %arg7[%run_scoped3A_31, %dma_start3A] : memref<32x512xf32, #tpu.memory_space<vmem>> -> memref<1x512xf32, #tpu.memory_space<vmem>>
      %dma_start3A_85 = tpu.memref_squeeze %dma_start3A_84 : memref<1x512xf32, #tpu.memory_space<vmem>> -> memref<512xf32, #tpu.memory_space<vmem>>
      %dma_start3A_86 = arith.constant 0 : i32
      %dma_start3A_87 = tpu.memref_slice %arg4[%run_scoped3A_32, %dma_start3A_86] : memref<32x16384xf32, #tpu.memory_space<hbm>> -> memref<1x16384xf32, #tpu.memory_space<hbm>>
      %dma_start3A_88 = tpu.memref_squeeze %dma_start3A_87 : memref<1x16384xf32, #tpu.memory_space<hbm>> -> memref<16384xf32, #tpu.memory_space<hbm>>
      %dma_start3A_89 = tpu.memref_slice %dma_start3A_88[%mul3A_2] : memref<16384xf32, #tpu.memory_space<hbm>> -> memref<512xf32, #tpu.memory_space<hbm>>
      %dma_start3A_90 = arith.constant 0 : i32
      %dma_start3A_91 = tpu.memref_slice %arg4[%run_scoped3A_32, %dma_start3A_90] : memref<32x16384xf32, #tpu.memory_space<hbm>> -> memref<1x16384xf32, #tpu.memory_space<hbm>>
      %dma_start3A_92 = tpu.memref_squeeze %dma_start3A_91 : memref<1x16384xf32, #tpu.memory_space<hbm>> -> memref<16384xf32, #tpu.memory_space<hbm>>
      %dma_start3A_93 = tpu.memref_slice %dma_start3A_92[%mul3A_2] : memref<16384xf32, #tpu.memory_space<hbm>> -> memref<512xf32, #tpu.memory_space<hbm>>
      %dma_start3A_94 = arith.constant 0 : i32
      %dma_start3A_95 = tpu.memref_slice %arg7[%run_scoped3A_31, %dma_start3A_94] : memref<32x512xf32, #tpu.memory_space<vmem>> -> memref<1x512xf32, #tpu.memory_space<vmem>>
      %dma_start3A_96 = tpu.memref_squeeze %dma_start3A_95 : memref<1x512xf32, #tpu.memory_space<vmem>> -> memref<512xf32, #tpu.memory_space<vmem>>
      tpu.enqueue_dma source(%dma_start3A_96 : memref<512xf32, #tpu.memory_space<vmem>>) target(%dma_start3A_93 : memref<512xf32, #tpu.memory_space<hbm>>) target_semaphore(%run_scoped3A_83 : memref<!tpu.dma_semaphore, #tpu.memory_space<semaphore_mem>>)
      %dma_wait3A = arith.constant 0 : i32
      %dma_wait3A_97 = tpu.memref_slice %arg7[%run_scoped3A_31, %dma_wait3A] : memref<32x512xf32, #tpu.memory_space<vmem>> -> memref<1x512xf32, #tpu.memory_space<vmem>>
      %dma_wait3A_98 = tpu.memref_squeeze %dma_wait3A_97 : memref<1x512xf32, #tpu.memory_space<vmem>> -> memref<512xf32, #tpu.memory_space<vmem>>
      %dma_wait3A_99 = arith.constant 0 : i32
      %dma_wait3A_100 = tpu.memref_slice %arg4[%run_scoped3A_32, %dma_wait3A_99] : memref<32x16384xf32, #tpu.memory_space<hbm>> -> memref<1x16384xf32, #tpu.memory_space<hbm>>
      %dma_wait3A_101 = tpu.memref_squeeze %dma_wait3A_100 : memref<1x16384xf32, #tpu.memory_space<hbm>> -> memref<16384xf32, #tpu.memory_space<hbm>>
      %dma_wait3A_102 = tpu.memref_slice %dma_wait3A_101[%mul3A_2] : memref<16384xf32, #tpu.memory_space<hbm>> -> memref<512xf32, #tpu.memory_space<hbm>>
      %dma_wait3A_103 = arith.constant 0 : i32
      %dma_wait3A_104 = tpu.memref_slice %arg4[%run_scoped3A_32, %dma_wait3A_103] : memref<32x16384xf32, #tpu.memory_space<hbm>> -> memref<1x16384xf32, #tpu.memory_space<hbm>>
      %dma_wait3A_105 = tpu.memref_squeeze %dma_wait3A_104 : memref<1x16384xf32, #tpu.memory_space<hbm>> -> memref<16384xf32, #tpu.memory_space<hbm>>
      %dma_wait3A_106 = tpu.memref_slice %dma_wait3A_105[%mul3A_2] : memref<16384xf32, #tpu.memory_space<hbm>> -> memref<512xf32, #tpu.memory_space<hbm>>
      %dma_wait3A_107 = arith.constant 0 : i32
      %dma_wait3A_108 = tpu.memref_slice %arg7[%run_scoped3A_31, %dma_wait3A_107] : memref<32x512xf32, #tpu.memory_space<vmem>> -> memref<1x512xf32, #tpu.memory_space<vmem>>
      %dma_wait3A_109 = tpu.memref_squeeze %dma_wait3A_108 : memref<1x512xf32, #tpu.memory_space<vmem>> -> memref<512xf32, #tpu.memory_space<vmem>>
      tpu.wait_dma2 semaphore(%run_scoped3A_83 : memref<!tpu.dma_semaphore, #tpu.memory_space<semaphore_mem>>) src(%dma_wait3A_109 : memref<512xf32, #tpu.memory_space<vmem>>) dst(%dma_wait3A_106 : memref<512xf32, #tpu.memory_space<hbm>>)
      tpu.yield
    }) : () -> ()
    %run_scoped3A_33 = arith.constant 7 : i32
    %run_scoped3A_34 = arith.constant 7 : i32
    "tpu.region"() ({
      %run_scoped3A_83 = tpu.sem_alloc : memref<!tpu.dma_semaphore, #tpu.memory_space<semaphore_mem>>
      %dma_start3A = arith.constant 0 : i32
      %dma_start3A_84 = tpu.memref_slice %arg7[%run_scoped3A_33, %dma_start3A] : memref<32x512xf32, #tpu.memory_space<vmem>> -> memref<1x512xf32, #tpu.memory_space<vmem>>
      %dma_start3A_85 = tpu.memref_squeeze %dma_start3A_84 : memref<1x512xf32, #tpu.memory_space<vmem>> -> memref<512xf32, #tpu.memory_space<vmem>>
      %dma_start3A_86 = arith.constant 0 : i32
      %dma_start3A_87 = tpu.memref_slice %arg4[%run_scoped3A_34, %dma_start3A_86] : memref<32x16384xf32, #tpu.memory_space<hbm>> -> memref<1x16384xf32, #tpu.memory_space<hbm>>
      %dma_start3A_88 = tpu.memref_squeeze %dma_start3A_87 : memref<1x16384xf32, #tpu.memory_space<hbm>> -> memref<16384xf32, #tpu.memory_space<hbm>>
      %dma_start3A_89 = tpu.memref_slice %dma_start3A_88[%mul3A_2] : memref<16384xf32, #tpu.memory_space<hbm>> -> memref<512xf32, #tpu.memory_space<hbm>>
      %dma_start3A_90 = arith.constant 0 : i32
      %dma_start3A_91 = tpu.memref_slice %arg4[%run_scoped3A_34, %dma_start3A_90] : memref<32x16384xf32, #tpu.memory_space<hbm>> -> memref<1x16384xf32, #tpu.memory_space<hbm>>
      %dma_start3A_92 = tpu.memref_squeeze %dma_start3A_91 : memref<1x16384xf32, #tpu.memory_space<hbm>> -> memref<16384xf32, #tpu.memory_space<hbm>>
      %dma_start3A_93 = tpu.memref_slice %dma_start3A_92[%mul3A_2] : memref<16384xf32, #tpu.memory_space<hbm>> -> memref<512xf32, #tpu.memory_space<hbm>>
      %dma_start3A_94 = arith.constant 0 : i32
      %dma_start3A_95 = tpu.memref_slice %arg7[%run_scoped3A_33, %dma_start3A_94] : memref<32x512xf32, #tpu.memory_space<vmem>> -> memref<1x512xf32, #tpu.memory_space<vmem>>
      %dma_start3A_96 = tpu.memref_squeeze %dma_start3A_95 : memref<1x512xf32, #tpu.memory_space<vmem>> -> memref<512xf32, #tpu.memory_space<vmem>>
      tpu.enqueue_dma source(%dma_start3A_96 : memref<512xf32, #tpu.memory_space<vmem>>) target(%dma_start3A_93 : memref<512xf32, #tpu.memory_space<hbm>>) target_semaphore(%run_scoped3A_83 : memref<!tpu.dma_semaphore, #tpu.memory_space<semaphore_mem>>)
      %dma_wait3A = arith.constant 0 : i32
      %dma_wait3A_97 = tpu.memref_slice %arg7[%run_scoped3A_33, %dma_wait3A] : memref<32x512xf32, #tpu.memory_space<vmem>> -> memref<1x512xf32, #tpu.memory_space<vmem>>
      %dma_wait3A_98 = tpu.memref_squeeze %dma_wait3A_97 : memref<1x512xf32, #tpu.memory_space<vmem>> -> memref<512xf32, #tpu.memory_space<vmem>>
      %dma_wait3A_99 = arith.constant 0 : i32
      %dma_wait3A_100 = tpu.memref_slice %arg4[%run_scoped3A_34, %dma_wait3A_99] : memref<32x16384xf32, #tpu.memory_space<hbm>> -> memref<1x16384xf32, #tpu.memory_space<hbm>>
      %dma_wait3A_101 = tpu.memref_squeeze %dma_wait3A_100 : memref<1x16384xf32, #tpu.memory_space<hbm>> -> memref<16384xf32, #tpu.memory_space<hbm>>
      %dma_wait3A_102 = tpu.memref_slice %dma_wait3A_101[%mul3A_2] : memref<16384xf32, #tpu.memory_space<hbm>> -> memref<512xf32, #tpu.memory_space<hbm>>
      %dma_wait3A_103 = arith.constant 0 : i32
      %dma_wait3A_104 = tpu.memref_slice %arg4[%run_scoped3A_34, %dma_wait3A_103] : memref<32x16384xf32, #tpu.memory_space<hbm>> -> memref<1x16384xf32, #tpu.memory_space<hbm>>
      %dma_wait3A_105 = tpu.memref_squeeze %dma_wait3A_104 : memref<1x16384xf32, #tpu.memory_space<hbm>> -> memref<16384xf32, #tpu.memory_space<hbm>>
      %dma_wait3A_106 = tpu.memref_slice %dma_wait3A_105[%mul3A_2] : memref<16384xf32, #tpu.memory_space<hbm>> -> memref<512xf32, #tpu.memory_space<hbm>>
      %dma_wait3A_107 = arith.constant 0 : i32
      %dma_wait3A_108 = tpu.memref_slice %arg7[%run_scoped3A_33, %dma_wait3A_107] : memref<32x512xf32, #tpu.memory_space<vmem>> -> memref<1x512xf32, #tpu.memory_space<vmem>>
      %dma_wait3A_109 = tpu.memref_squeeze %dma_wait3A_108 : memref<1x512xf32, #tpu.memory_space<vmem>> -> memref<512xf32, #tpu.memory_space<vmem>>
      tpu.wait_dma2 semaphore(%run_scoped3A_83 : memref<!tpu.dma_semaphore, #tpu.memory_space<semaphore_mem>>) src(%dma_wait3A_109 : memref<512xf32, #tpu.memory_space<vmem>>) dst(%dma_wait3A_106 : memref<512xf32, #tpu.memory_space<hbm>>)
      tpu.yield
    }) : () -> ()
    %run_scoped3A_35 = arith.constant 8 : i32
    %run_scoped3A_36 = arith.constant 8 : i32
    "tpu.region"() ({
      %run_scoped3A_83 = tpu.sem_alloc : memref<!tpu.dma_semaphore, #tpu.memory_space<semaphore_mem>>
      %dma_start3A = arith.constant 0 : i32
      %dma_start3A_84 = tpu.memref_slice %arg7[%run_scoped3A_35, %dma_start3A] : memref<32x512xf32, #tpu.memory_space<vmem>> -> memref<1x512xf32, #tpu.memory_space<vmem>>
      %dma_start3A_85 = tpu.memref_squeeze %dma_start3A_84 : memref<1x512xf32, #tpu.memory_space<vmem>> -> memref<512xf32, #tpu.memory_space<vmem>>
      %dma_start3A_86 = arith.constant 0 : i32
      %dma_start3A_87 = tpu.memref_slice %arg4[%run_scoped3A_36, %dma_start3A_86] : memref<32x16384xf32, #tpu.memory_space<hbm>> -> memref<1x16384xf32, #tpu.memory_space<hbm>>
      %dma_start3A_88 = tpu.memref_squeeze %dma_start3A_87 : memref<1x16384xf32, #tpu.memory_space<hbm>> -> memref<16384xf32, #tpu.memory_space<hbm>>
      %dma_start3A_89 = tpu.memref_slice %dma_start3A_88[%mul3A_2] : memref<16384xf32, #tpu.memory_space<hbm>> -> memref<512xf32, #tpu.memory_space<hbm>>
      %dma_start3A_90 = arith.constant 0 : i32
      %dma_start3A_91 = tpu.memref_slice %arg4[%run_scoped3A_36, %dma_start3A_90] : memref<32x16384xf32, #tpu.memory_space<hbm>> -> memref<1x16384xf32, #tpu.memory_space<hbm>>
      %dma_start3A_92 = tpu.memref_squeeze %dma_start3A_91 : memref<1x16384xf32, #tpu.memory_space<hbm>> -> memref<16384xf32, #tpu.memory_space<hbm>>
      %dma_start3A_93 = tpu.memref_slice %dma_start3A_92[%mul3A_2] : memref<16384xf32, #tpu.memory_space<hbm>> -> memref<512xf32, #tpu.memory_space<hbm>>
      %dma_start3A_94 = arith.constant 0 : i32
      %dma_start3A_95 = tpu.memref_slice %arg7[%run_scoped3A_35, %dma_start3A_94] : memref<32x512xf32, #tpu.memory_space<vmem>> -> memref<1x512xf32, #tpu.memory_space<vmem>>
      %dma_start3A_96 = tpu.memref_squeeze %dma_start3A_95 : memref<1x512xf32, #tpu.memory_space<vmem>> -> memref<512xf32, #tpu.memory_space<vmem>>
      tpu.enqueue_dma source(%dma_start3A_96 : memref<512xf32, #tpu.memory_space<vmem>>) target(%dma_start3A_93 : memref<512xf32, #tpu.memory_space<hbm>>) target_semaphore(%run_scoped3A_83 : memref<!tpu.dma_semaphore, #tpu.memory_space<semaphore_mem>>)
      %dma_wait3A = arith.constant 0 : i32
      %dma_wait3A_97 = tpu.memref_slice %arg7[%run_scoped3A_35, %dma_wait3A] : memref<32x512xf32, #tpu.memory_space<vmem>> -> memref<1x512xf32, #tpu.memory_space<vmem>>
      %dma_wait3A_98 = tpu.memref_squeeze %dma_wait3A_97 : memref<1x512xf32, #tpu.memory_space<vmem>> -> memref<512xf32, #tpu.memory_space<vmem>>
      %dma_wait3A_99 = arith.constant 0 : i32
      %dma_wait3A_100 = tpu.memref_slice %arg4[%run_scoped3A_36, %dma_wait3A_99] : memref<32x16384xf32, #tpu.memory_space<hbm>> -> memref<1x16384xf32, #tpu.memory_space<hbm>>
      %dma_wait3A_101 = tpu.memref_squeeze %dma_wait3A_100 : memref<1x16384xf32, #tpu.memory_space<hbm>> -> memref<16384xf32, #tpu.memory_space<hbm>>
      %dma_wait3A_102 = tpu.memref_slice %dma_wait3A_101[%mul3A_2] : memref<16384xf32, #tpu.memory_space<hbm>> -> memref<512xf32, #tpu.memory_space<hbm>>
      %dma_wait3A_103 = arith.constant 0 : i32
      %dma_wait3A_104 = tpu.memref_slice %arg4[%run_scoped3A_36, %dma_wait3A_103] : memref<32x16384xf32, #tpu.memory_space<hbm>> -> memref<1x16384xf32, #tpu.memory_space<hbm>>
      %dma_wait3A_105 = tpu.memref_squeeze %dma_wait3A_104 : memref<1x16384xf32, #tpu.memory_space<hbm>> -> memref<16384xf32, #tpu.memory_space<hbm>>
      %dma_wait3A_106 = tpu.memref_slice %dma_wait3A_105[%mul3A_2] : memref<16384xf32, #tpu.memory_space<hbm>> -> memref<512xf32, #tpu.memory_space<hbm>>
      %dma_wait3A_107 = arith.constant 0 : i32
      %dma_wait3A_108 = tpu.memref_slice %arg7[%run_scoped3A_35, %dma_wait3A_107] : memref<32x512xf32, #tpu.memory_space<vmem>> -> memref<1x512xf32, #tpu.memory_space<vmem>>
      %dma_wait3A_109 = tpu.memref_squeeze %dma_wait3A_108 : memref<1x512xf32, #tpu.memory_space<vmem>> -> memref<512xf32, #tpu.memory_space<vmem>>
      tpu.wait_dma2 semaphore(%run_scoped3A_83 : memref<!tpu.dma_semaphore, #tpu.memory_space<semaphore_mem>>) src(%dma_wait3A_109 : memref<512xf32, #tpu.memory_space<vmem>>) dst(%dma_wait3A_106 : memref<512xf32, #tpu.memory_space<hbm>>)
      tpu.yield
    }) : () -> ()
    %run_scoped3A_37 = arith.constant 9 : i32
    %run_scoped3A_38 = arith.constant 9 : i32
    "tpu.region"() ({
      %run_scoped3A_83 = tpu.sem_alloc : memref<!tpu.dma_semaphore, #tpu.memory_space<semaphore_mem>>
      %dma_start3A = arith.constant 0 : i32
      %dma_start3A_84 = tpu.memref_slice %arg7[%run_scoped3A_37, %dma_start3A] : memref<32x512xf32, #tpu.memory_space<vmem>> -> memref<1x512xf32, #tpu.memory_space<vmem>>
      %dma_start3A_85 = tpu.memref_squeeze %dma_start3A_84 : memref<1x512xf32, #tpu.memory_space<vmem>> -> memref<512xf32, #tpu.memory_space<vmem>>
      %dma_start3A_86 = arith.constant 0 : i32
      %dma_start3A_87 = tpu.memref_slice %arg4[%run_scoped3A_38, %dma_start3A_86] : memref<32x16384xf32, #tpu.memory_space<hbm>> -> memref<1x16384xf32, #tpu.memory_space<hbm>>
      %dma_start3A_88 = tpu.memref_squeeze %dma_start3A_87 : memref<1x16384xf32, #tpu.memory_space<hbm>> -> memref<16384xf32, #tpu.memory_space<hbm>>
      %dma_start3A_89 = tpu.memref_slice %dma_start3A_88[%mul3A_2] : memref<16384xf32, #tpu.memory_space<hbm>> -> memref<512xf32, #tpu.memory_space<hbm>>
      %dma_start3A_90 = arith.constant 0 : i32
      %dma_start3A_91 = tpu.memref_slice %arg4[%run_scoped3A_38, %dma_start3A_90] : memref<32x16384xf32, #tpu.memory_space<hbm>> -> memref<1x16384xf32, #tpu.memory_space<hbm>>
      %dma_start3A_92 = tpu.memref_squeeze %dma_start3A_91 : memref<1x16384xf32, #tpu.memory_space<hbm>> -> memref<16384xf32, #tpu.memory_space<hbm>>
      %dma_start3A_93 = tpu.memref_slice %dma_start3A_92[%mul3A_2] : memref<16384xf32, #tpu.memory_space<hbm>> -> memref<512xf32, #tpu.memory_space<hbm>>
      %dma_start3A_94 = arith.constant 0 : i32
      %dma_start3A_95 = tpu.memref_slice %arg7[%run_scoped3A_37, %dma_start3A_94] : memref<32x512xf32, #tpu.memory_space<vmem>> -> memref<1x512xf32, #tpu.memory_space<vmem>>
      %dma_start3A_96 = tpu.memref_squeeze %dma_start3A_95 : memref<1x512xf32, #tpu.memory_space<vmem>> -> memref<512xf32, #tpu.memory_space<vmem>>
      tpu.enqueue_dma source(%dma_start3A_96 : memref<512xf32, #tpu.memory_space<vmem>>) target(%dma_start3A_93 : memref<512xf32, #tpu.memory_space<hbm>>) target_semaphore(%run_scoped3A_83 : memref<!tpu.dma_semaphore, #tpu.memory_space<semaphore_mem>>)
      %dma_wait3A = arith.constant 0 : i32
      %dma_wait3A_97 = tpu.memref_slice %arg7[%run_scoped3A_37, %dma_wait3A] : memref<32x512xf32, #tpu.memory_space<vmem>> -> memref<1x512xf32, #tpu.memory_space<vmem>>
      %dma_wait3A_98 = tpu.memref_squeeze %dma_wait3A_97 : memref<1x512xf32, #tpu.memory_space<vmem>> -> memref<512xf32, #tpu.memory_space<vmem>>
      %dma_wait3A_99 = arith.constant 0 : i32
      %dma_wait3A_100 = tpu.memref_slice %arg4[%run_scoped3A_38, %dma_wait3A_99] : memref<32x16384xf32, #tpu.memory_space<hbm>> -> memref<1x16384xf32, #tpu.memory_space<hbm>>
      %dma_wait3A_101 = tpu.memref_squeeze %dma_wait3A_100 : memref<1x16384xf32, #tpu.memory_space<hbm>> -> memref<16384xf32, #tpu.memory_space<hbm>>
      %dma_wait3A_102 = tpu.memref_slice %dma_wait3A_101[%mul3A_2] : memref<16384xf32, #tpu.memory_space<hbm>> -> memref<512xf32, #tpu.memory_space<hbm>>
      %dma_wait3A_103 = arith.constant 0 : i32
      %dma_wait3A_104 = tpu.memref_slice %arg4[%run_scoped3A_38, %dma_wait3A_103] : memref<32x16384xf32, #tpu.memory_space<hbm>> -> memref<1x16384xf32, #tpu.memory_space<hbm>>
      %dma_wait3A_105 = tpu.memref_squeeze %dma_wait3A_104 : memref<1x16384xf32, #tpu.memory_space<hbm>> -> memref<16384xf32, #tpu.memory_space<hbm>>
      %dma_wait3A_106 = tpu.memref_slice %dma_wait3A_105[%mul3A_2] : memref<16384xf32, #tpu.memory_space<hbm>> -> memref<512xf32, #tpu.memory_space<hbm>>
      %dma_wait3A_107 = arith.constant 0 : i32
      %dma_wait3A_108 = tpu.memref_slice %arg7[%run_scoped3A_37, %dma_wait3A_107] : memref<32x512xf32, #tpu.memory_space<vmem>> -> memref<1x512xf32, #tpu.memory_space<vmem>>
      %dma_wait3A_109 = tpu.memref_squeeze %dma_wait3A_108 : memref<1x512xf32, #tpu.memory_space<vmem>> -> memref<512xf32, #tpu.memory_space<vmem>>
      tpu.wait_dma2 semaphore(%run_scoped3A_83 : memref<!tpu.dma_semaphore, #tpu.memory_space<semaphore_mem>>) src(%dma_wait3A_109 : memref<512xf32, #tpu.memory_space<vmem>>) dst(%dma_wait3A_106 : memref<512xf32, #tpu.memory_space<hbm>>)
      tpu.yield
    }) : () -> ()
    %run_scoped3A_39 = arith.constant 10 : i32
    %run_scoped3A_40 = arith.constant 10 : i32
    "tpu.region"() ({
      %run_scoped3A_83 = tpu.sem_alloc : memref<!tpu.dma_semaphore, #tpu.memory_space<semaphore_mem>>
      %dma_start3A = arith.constant 0 : i32
      %dma_start3A_84 = tpu.memref_slice %arg7[%run_scoped3A_39, %dma_start3A] : memref<32x512xf32, #tpu.memory_space<vmem>> -> memref<1x512xf32, #tpu.memory_space<vmem>>
      %dma_start3A_85 = tpu.memref_squeeze %dma_start3A_84 : memref<1x512xf32, #tpu.memory_space<vmem>> -> memref<512xf32, #tpu.memory_space<vmem>>
      %dma_start3A_86 = arith.constant 0 : i32
      %dma_start3A_87 = tpu.memref_slice %arg4[%run_scoped3A_40, %dma_start3A_86] : memref<32x16384xf32, #tpu.memory_space<hbm>> -> memref<1x16384xf32, #tpu.memory_space<hbm>>
      %dma_start3A_88 = tpu.memref_squeeze %dma_start3A_87 : memref<1x16384xf32, #tpu.memory_space<hbm>> -> memref<16384xf32, #tpu.memory_space<hbm>>
      %dma_start3A_89 = tpu.memref_slice %dma_start3A_88[%mul3A_2] : memref<16384xf32, #tpu.memory_space<hbm>> -> memref<512xf32, #tpu.memory_space<hbm>>
      %dma_start3A_90 = arith.constant 0 : i32
      %dma_start3A_91 = tpu.memref_slice %arg4[%run_scoped3A_40, %dma_start3A_90] : memref<32x16384xf32, #tpu.memory_space<hbm>> -> memref<1x16384xf32, #tpu.memory_space<hbm>>
      %dma_start3A_92 = tpu.memref_squeeze %dma_start3A_91 : memref<1x16384xf32, #tpu.memory_space<hbm>> -> memref<16384xf32, #tpu.memory_space<hbm>>
      %dma_start3A_93 = tpu.memref_slice %dma_start3A_92[%mul3A_2] : memref<16384xf32, #tpu.memory_space<hbm>> -> memref<512xf32, #tpu.memory_space<hbm>>
      %dma_start3A_94 = arith.constant 0 : i32
      %dma_start3A_95 = tpu.memref_slice %arg7[%run_scoped3A_39, %dma_start3A_94] : memref<32x512xf32, #tpu.memory_space<vmem>> -> memref<1x512xf32, #tpu.memory_space<vmem>>
      %dma_start3A_96 = tpu.memref_squeeze %dma_start3A_95 : memref<1x512xf32, #tpu.memory_space<vmem>> -> memref<512xf32, #tpu.memory_space<vmem>>
      tpu.enqueue_dma source(%dma_start3A_96 : memref<512xf32, #tpu.memory_space<vmem>>) target(%dma_start3A_93 : memref<512xf32, #tpu.memory_space<hbm>>) target_semaphore(%run_scoped3A_83 : memref<!tpu.dma_semaphore, #tpu.memory_space<semaphore_mem>>)
      %dma_wait3A = arith.constant 0 : i32
      %dma_wait3A_97 = tpu.memref_slice %arg7[%run_scoped3A_39, %dma_wait3A] : memref<32x512xf32, #tpu.memory_space<vmem>> -> memref<1x512xf32, #tpu.memory_space<vmem>>
      %dma_wait3A_98 = tpu.memref_squeeze %dma_wait3A_97 : memref<1x512xf32, #tpu.memory_space<vmem>> -> memref<512xf32, #tpu.memory_space<vmem>>
      %dma_wait3A_99 = arith.constant 0 : i32
      %dma_wait3A_100 = tpu.memref_slice %arg4[%run_scoped3A_40, %dma_wait3A_99] : memref<32x16384xf32, #tpu.memory_space<hbm>> -> memref<1x16384xf32, #tpu.memory_space<hbm>>
      %dma_wait3A_101 = tpu.memref_squeeze %dma_wait3A_100 : memref<1x16384xf32, #tpu.memory_space<hbm>> -> memref<16384xf32, #tpu.memory_space<hbm>>
      %dma_wait3A_102 = tpu.memref_slice %dma_wait3A_101[%mul3A_2] : memref<16384xf32, #tpu.memory_space<hbm>> -> memref<512xf32, #tpu.memory_space<hbm>>
      %dma_wait3A_103 = arith.constant 0 : i32
      %dma_wait3A_104 = tpu.memref_slice %arg4[%run_scoped3A_40, %dma_wait3A_103] : memref<32x16384xf32, #tpu.memory_space<hbm>> -> memref<1x16384xf32, #tpu.memory_space<hbm>>
      %dma_wait3A_105 = tpu.memref_squeeze %dma_wait3A_104 : memref<1x16384xf32, #tpu.memory_space<hbm>> -> memref<16384xf32, #tpu.memory_space<hbm>>
      %dma_wait3A_106 = tpu.memref_slice %dma_wait3A_105[%mul3A_2] : memref<16384xf32, #tpu.memory_space<hbm>> -> memref<512xf32, #tpu.memory_space<hbm>>
      %dma_wait3A_107 = arith.constant 0 : i32
      %dma_wait3A_108 = tpu.memref_slice %arg7[%run_scoped3A_39, %dma_wait3A_107] : memref<32x512xf32, #tpu.memory_space<vmem>> -> memref<1x512xf32, #tpu.memory_space<vmem>>
      %dma_wait3A_109 = tpu.memref_squeeze %dma_wait3A_108 : memref<1x512xf32, #tpu.memory_space<vmem>> -> memref<512xf32, #tpu.memory_space<vmem>>
      tpu.wait_dma2 semaphore(%run_scoped3A_83 : memref<!tpu.dma_semaphore, #tpu.memory_space<semaphore_mem>>) src(%dma_wait3A_109 : memref<512xf32, #tpu.memory_space<vmem>>) dst(%dma_wait3A_106 : memref<512xf32, #tpu.memory_space<hbm>>)
      tpu.yield
    }) : () -> ()
    %run_scoped3A_41 = arith.constant 11 : i32
    %run_scoped3A_42 = arith.constant 11 : i32
    "tpu.region"() ({
      %run_scoped3A_83 = tpu.sem_alloc : memref<!tpu.dma_semaphore, #tpu.memory_space<semaphore_mem>>
      %dma_start3A = arith.constant 0 : i32
      %dma_start3A_84 = tpu.memref_slice %arg7[%run_scoped3A_41, %dma_start3A] : memref<32x512xf32, #tpu.memory_space<vmem>> -> memref<1x512xf32, #tpu.memory_space<vmem>>
      %dma_start3A_85 = tpu.memref_squeeze %dma_start3A_84 : memref<1x512xf32, #tpu.memory_space<vmem>> -> memref<512xf32, #tpu.memory_space<vmem>>
      %dma_start3A_86 = arith.constant 0 : i32
      %dma_start3A_87 = tpu.memref_slice %arg4[%run_scoped3A_42, %dma_start3A_86] : memref<32x16384xf32, #tpu.memory_space<hbm>> -> memref<1x16384xf32, #tpu.memory_space<hbm>>
      %dma_start3A_88 = tpu.memref_squeeze %dma_start3A_87 : memref<1x16384xf32, #tpu.memory_space<hbm>> -> memref<16384xf32, #tpu.memory_space<hbm>>
      %dma_start3A_89 = tpu.memref_slice %dma_start3A_88[%mul3A_2] : memref<16384xf32, #tpu.memory_space<hbm>> -> memref<512xf32, #tpu.memory_space<hbm>>
      %dma_start3A_90 = arith.constant 0 : i32
      %dma_start3A_91 = tpu.memref_slice %arg4[%run_scoped3A_42, %dma_start3A_90] : memref<32x16384xf32, #tpu.memory_space<hbm>> -> memref<1x16384xf32, #tpu.memory_space<hbm>>
      %dma_start3A_92 = tpu.memref_squeeze %dma_start3A_91 : memref<1x16384xf32, #tpu.memory_space<hbm>> -> memref<16384xf32, #tpu.memory_space<hbm>>
      %dma_start3A_93 = tpu.memref_slice %dma_start3A_92[%mul3A_2] : memref<16384xf32, #tpu.memory_space<hbm>> -> memref<512xf32, #tpu.memory_space<hbm>>
      %dma_start3A_94 = arith.constant 0 : i32
      %dma_start3A_95 = tpu.memref_slice %arg7[%run_scoped3A_41, %dma_start3A_94] : memref<32x512xf32, #tpu.memory_space<vmem>> -> memref<1x512xf32, #tpu.memory_space<vmem>>
      %dma_start3A_96 = tpu.memref_squeeze %dma_start3A_95 : memref<1x512xf32, #tpu.memory_space<vmem>> -> memref<512xf32, #tpu.memory_space<vmem>>
      tpu.enqueue_dma source(%dma_start3A_96 : memref<512xf32, #tpu.memory_space<vmem>>) target(%dma_start3A_93 : memref<512xf32, #tpu.memory_space<hbm>>) target_semaphore(%run_scoped3A_83 : memref<!tpu.dma_semaphore, #tpu.memory_space<semaphore_mem>>)
      %dma_wait3A = arith.constant 0 : i32
      %dma_wait3A_97 = tpu.memref_slice %arg7[%run_scoped3A_41, %dma_wait3A] : memref<32x512xf32, #tpu.memory_space<vmem>> -> memref<1x512xf32, #tpu.memory_space<vmem>>
      %dma_wait3A_98 = tpu.memref_squeeze %dma_wait3A_97 : memref<1x512xf32, #tpu.memory_space<vmem>> -> memref<512xf32, #tpu.memory_space<vmem>>
      %dma_wait3A_99 = arith.constant 0 : i32
      %dma_wait3A_100 = tpu.memref_slice %arg4[%run_scoped3A_42, %dma_wait3A_99] : memref<32x16384xf32, #tpu.memory_space<hbm>> -> memref<1x16384xf32, #tpu.memory_space<hbm>>
      %dma_wait3A_101 = tpu.memref_squeeze %dma_wait3A_100 : memref<1x16384xf32, #tpu.memory_space<hbm>> -> memref<16384xf32, #tpu.memory_space<hbm>>
      %dma_wait3A_102 = tpu.memref_slice %dma_wait3A_101[%mul3A_2] : memref<16384xf32, #tpu.memory_space<hbm>> -> memref<512xf32, #tpu.memory_space<hbm>>
      %dma_wait3A_103 = arith.constant 0 : i32
      %dma_wait3A_104 = tpu.memref_slice %arg4[%run_scoped3A_42, %dma_wait3A_103] : memref<32x16384xf32, #tpu.memory_space<hbm>> -> memref<1x16384xf32, #tpu.memory_space<hbm>>
      %dma_wait3A_105 = tpu.memref_squeeze %dma_wait3A_104 : memref<1x16384xf32, #tpu.memory_space<hbm>> -> memref<16384xf32, #tpu.memory_space<hbm>>
      %dma_wait3A_106 = tpu.memref_slice %dma_wait3A_105[%mul3A_2] : memref<16384xf32, #tpu.memory_space<hbm>> -> memref<512xf32, #tpu.memory_space<hbm>>
      %dma_wait3A_107 = arith.constant 0 : i32
      %dma_wait3A_108 = tpu.memref_slice %arg7[%run_scoped3A_41, %dma_wait3A_107] : memref<32x512xf32, #tpu.memory_space<vmem>> -> memref<1x512xf32, #tpu.memory_space<vmem>>
      %dma_wait3A_109 = tpu.memref_squeeze %dma_wait3A_108 : memref<1x512xf32, #tpu.memory_space<vmem>> -> memref<512xf32, #tpu.memory_space<vmem>>
      tpu.wait_dma2 semaphore(%run_scoped3A_83 : memref<!tpu.dma_semaphore, #tpu.memory_space<semaphore_mem>>) src(%dma_wait3A_109 : memref<512xf32, #tpu.memory_space<vmem>>) dst(%dma_wait3A_106 : memref<512xf32, #tpu.memory_space<hbm>>)
      tpu.yield
    }) : () -> ()
    %run_scoped3A_43 = arith.constant 12 : i32
    %run_scoped3A_44 = arith.constant 12 : i32
    "tpu.region"() ({
      %run_scoped3A_83 = tpu.sem_alloc : memref<!tpu.dma_semaphore, #tpu.memory_space<semaphore_mem>>
      %dma_start3A = arith.constant 0 : i32
      %dma_start3A_84 = tpu.memref_slice %arg7[%run_scoped3A_43, %dma_start3A] : memref<32x512xf32, #tpu.memory_space<vmem>> -> memref<1x512xf32, #tpu.memory_space<vmem>>
      %dma_start3A_85 = tpu.memref_squeeze %dma_start3A_84 : memref<1x512xf32, #tpu.memory_space<vmem>> -> memref<512xf32, #tpu.memory_space<vmem>>
      %dma_start3A_86 = arith.constant 0 : i32
      %dma_start3A_87 = tpu.memref_slice %arg4[%run_scoped3A_44, %dma_start3A_86] : memref<32x16384xf32, #tpu.memory_space<hbm>> -> memref<1x16384xf32, #tpu.memory_space<hbm>>
      %dma_start3A_88 = tpu.memref_squeeze %dma_start3A_87 : memref<1x16384xf32, #tpu.memory_space<hbm>> -> memref<16384xf32, #tpu.memory_space<hbm>>
      %dma_start3A_89 = tpu.memref_slice %dma_start3A_88[%mul3A_2] : memref<16384xf32, #tpu.memory_space<hbm>> -> memref<512xf32, #tpu.memory_space<hbm>>
      %dma_start3A_90 = arith.constant 0 : i32
      %dma_start3A_91 = tpu.memref_slice %arg4[%run_scoped3A_44, %dma_start3A_90] : memref<32x16384xf32, #tpu.memory_space<hbm>> -> memref<1x16384xf32, #tpu.memory_space<hbm>>
      %dma_start3A_92 = tpu.memref_squeeze %dma_start3A_91 : memref<1x16384xf32, #tpu.memory_space<hbm>> -> memref<16384xf32, #tpu.memory_space<hbm>>
      %dma_start3A_93 = tpu.memref_slice %dma_start3A_92[%mul3A_2] : memref<16384xf32, #tpu.memory_space<hbm>> -> memref<512xf32, #tpu.memory_space<hbm>>
      %dma_start3A_94 = arith.constant 0 : i32
      %dma_start3A_95 = tpu.memref_slice %arg7[%run_scoped3A_43, %dma_start3A_94] : memref<32x512xf32, #tpu.memory_space<vmem>> -> memref<1x512xf32, #tpu.memory_space<vmem>>
      %dma_start3A_96 = tpu.memref_squeeze %dma_start3A_95 : memref<1x512xf32, #tpu.memory_space<vmem>> -> memref<512xf32, #tpu.memory_space<vmem>>
      tpu.enqueue_dma source(%dma_start3A_96 : memref<512xf32, #tpu.memory_space<vmem>>) target(%dma_start3A_93 : memref<512xf32, #tpu.memory_space<hbm>>) target_semaphore(%run_scoped3A_83 : memref<!tpu.dma_semaphore, #tpu.memory_space<semaphore_mem>>)
      %dma_wait3A = arith.constant 0 : i32
      %dma_wait3A_97 = tpu.memref_slice %arg7[%run_scoped3A_43, %dma_wait3A] : memref<32x512xf32, #tpu.memory_space<vmem>> -> memref<1x512xf32, #tpu.memory_space<vmem>>
      %dma_wait3A_98 = tpu.memref_squeeze %dma_wait3A_97 : memref<1x512xf32, #tpu.memory_space<vmem>> -> memref<512xf32, #tpu.memory_space<vmem>>
      %dma_wait3A_99 = arith.constant 0 : i32
      %dma_wait3A_100 = tpu.memref_slice %arg4[%run_scoped3A_44, %dma_wait3A_99] : memref<32x16384xf32, #tpu.memory_space<hbm>> -> memref<1x16384xf32, #tpu.memory_space<hbm>>
      %dma_wait3A_101 = tpu.memref_squeeze %dma_wait3A_100 : memref<1x16384xf32, #tpu.memory_space<hbm>> -> memref<16384xf32, #tpu.memory_space<hbm>>
      %dma_wait3A_102 = tpu.memref_slice %dma_wait3A_101[%mul3A_2] : memref<16384xf32, #tpu.memory_space<hbm>> -> memref<512xf32, #tpu.memory_space<hbm>>
      %dma_wait3A_103 = arith.constant 0 : i32
      %dma_wait3A_104 = tpu.memref_slice %arg4[%run_scoped3A_44, %dma_wait3A_103] : memref<32x16384xf32, #tpu.memory_space<hbm>> -> memref<1x16384xf32, #tpu.memory_space<hbm>>
      %dma_wait3A_105 = tpu.memref_squeeze %dma_wait3A_104 : memref<1x16384xf32, #tpu.memory_space<hbm>> -> memref<16384xf32, #tpu.memory_space<hbm>>
      %dma_wait3A_106 = tpu.memref_slice %dma_wait3A_105[%mul3A_2] : memref<16384xf32, #tpu.memory_space<hbm>> -> memref<512xf32, #tpu.memory_space<hbm>>
      %dma_wait3A_107 = arith.constant 0 : i32
      %dma_wait3A_108 = tpu.memref_slice %arg7[%run_scoped3A_43, %dma_wait3A_107] : memref<32x512xf32, #tpu.memory_space<vmem>> -> memref<1x512xf32, #tpu.memory_space<vmem>>
      %dma_wait3A_109 = tpu.memref_squeeze %dma_wait3A_108 : memref<1x512xf32, #tpu.memory_space<vmem>> -> memref<512xf32, #tpu.memory_space<vmem>>
      tpu.wait_dma2 semaphore(%run_scoped3A_83 : memref<!tpu.dma_semaphore, #tpu.memory_space<semaphore_mem>>) src(%dma_wait3A_109 : memref<512xf32, #tpu.memory_space<vmem>>) dst(%dma_wait3A_106 : memref<512xf32, #tpu.memory_space<hbm>>)
      tpu.yield
    }) : () -> ()
    %run_scoped3A_45 = arith.constant 13 : i32
    %run_scoped3A_46 = arith.constant 13 : i32
    "tpu.region"() ({
      %run_scoped3A_83 = tpu.sem_alloc : memref<!tpu.dma_semaphore, #tpu.memory_space<semaphore_mem>>
      %dma_start3A = arith.constant 0 : i32
      %dma_start3A_84 = tpu.memref_slice %arg7[%run_scoped3A_45, %dma_start3A] : memref<32x512xf32, #tpu.memory_space<vmem>> -> memref<1x512xf32, #tpu.memory_space<vmem>>
      %dma_start3A_85 = tpu.memref_squeeze %dma_start3A_84 : memref<1x512xf32, #tpu.memory_space<vmem>> -> memref<512xf32, #tpu.memory_space<vmem>>
      %dma_start3A_86 = arith.constant 0 : i32
      %dma_start3A_87 = tpu.memref_slice %arg4[%run_scoped3A_46, %dma_start3A_86] : memref<32x16384xf32, #tpu.memory_space<hbm>> -> memref<1x16384xf32, #tpu.memory_space<hbm>>
      %dma_start3A_88 = tpu.memref_squeeze %dma_start3A_87 : memref<1x16384xf32, #tpu.memory_space<hbm>> -> memref<16384xf32, #tpu.memory_space<hbm>>
      %dma_start3A_89 = tpu.memref_slice %dma_start3A_88[%mul3A_2] : memref<16384xf32, #tpu.memory_space<hbm>> -> memref<512xf32, #tpu.memory_space<hbm>>
      %dma_start3A_90 = arith.constant 0 : i32
      %dma_start3A_91 = tpu.memref_slice %arg4[%run_scoped3A_46, %dma_start3A_90] : memref<32x16384xf32, #tpu.memory_space<hbm>> -> memref<1x16384xf32, #tpu.memory_space<hbm>>
      %dma_start3A_92 = tpu.memref_squeeze %dma_start3A_91 : memref<1x16384xf32, #tpu.memory_space<hbm>> -> memref<16384xf32, #tpu.memory_space<hbm>>
      %dma_start3A_93 = tpu.memref_slice %dma_start3A_92[%mul3A_2] : memref<16384xf32, #tpu.memory_space<hbm>> -> memref<512xf32, #tpu.memory_space<hbm>>
      %dma_start3A_94 = arith.constant 0 : i32
      %dma_start3A_95 = tpu.memref_slice %arg7[%run_scoped3A_45, %dma_start3A_94] : memref<32x512xf32, #tpu.memory_space<vmem>> -> memref<1x512xf32, #tpu.memory_space<vmem>>
      %dma_start3A_96 = tpu.memref_squeeze %dma_start3A_95 : memref<1x512xf32, #tpu.memory_space<vmem>> -> memref<512xf32, #tpu.memory_space<vmem>>
      tpu.enqueue_dma source(%dma_start3A_96 : memref<512xf32, #tpu.memory_space<vmem>>) target(%dma_start3A_93 : memref<512xf32, #tpu.memory_space<hbm>>) target_semaphore(%run_scoped3A_83 : memref<!tpu.dma_semaphore, #tpu.memory_space<semaphore_mem>>)
      %dma_wait3A = arith.constant 0 : i32
      %dma_wait3A_97 = tpu.memref_slice %arg7[%run_scoped3A_45, %dma_wait3A] : memref<32x512xf32, #tpu.memory_space<vmem>> -> memref<1x512xf32, #tpu.memory_space<vmem>>
      %dma_wait3A_98 = tpu.memref_squeeze %dma_wait3A_97 : memref<1x512xf32, #tpu.memory_space<vmem>> -> memref<512xf32, #tpu.memory_space<vmem>>
      %dma_wait3A_99 = arith.constant 0 : i32
      %dma_wait3A_100 = tpu.memref_slice %arg4[%run_scoped3A_46, %dma_wait3A_99] : memref<32x16384xf32, #tpu.memory_space<hbm>> -> memref<1x16384xf32, #tpu.memory_space<hbm>>
      %dma_wait3A_101 = tpu.memref_squeeze %dma_wait3A_100 : memref<1x16384xf32, #tpu.memory_space<hbm>> -> memref<16384xf32, #tpu.memory_space<hbm>>
      %dma_wait3A_102 = tpu.memref_slice %dma_wait3A_101[%mul3A_2] : memref<16384xf32, #tpu.memory_space<hbm>> -> memref<512xf32, #tpu.memory_space<hbm>>
      %dma_wait3A_103 = arith.constant 0 : i32
      %dma_wait3A_104 = tpu.memref_slice %arg4[%run_scoped3A_46, %dma_wait3A_103] : memref<32x16384xf32, #tpu.memory_space<hbm>> -> memref<1x16384xf32, #tpu.memory_space<hbm>>
      %dma_wait3A_105 = tpu.memref_squeeze %dma_wait3A_104 : memref<1x16384xf32, #tpu.memory_space<hbm>> -> memref<16384xf32, #tpu.memory_space<hbm>>
      %dma_wait3A_106 = tpu.memref_slice %dma_wait3A_105[%mul3A_2] : memref<16384xf32, #tpu.memory_space<hbm>> -> memref<512xf32, #tpu.memory_space<hbm>>
      %dma_wait3A_107 = arith.constant 0 : i32
      %dma_wait3A_108 = tpu.memref_slice %arg7[%run_scoped3A_45, %dma_wait3A_107] : memref<32x512xf32, #tpu.memory_space<vmem>> -> memref<1x512xf32, #tpu.memory_space<vmem>>
      %dma_wait3A_109 = tpu.memref_squeeze %dma_wait3A_108 : memref<1x512xf32, #tpu.memory_space<vmem>> -> memref<512xf32, #tpu.memory_space<vmem>>
      tpu.wait_dma2 semaphore(%run_scoped3A_83 : memref<!tpu.dma_semaphore, #tpu.memory_space<semaphore_mem>>) src(%dma_wait3A_109 : memref<512xf32, #tpu.memory_space<vmem>>) dst(%dma_wait3A_106 : memref<512xf32, #tpu.memory_space<hbm>>)
      tpu.yield
    }) : () -> ()
    %run_scoped3A_47 = arith.constant 14 : i32
    %run_scoped3A_48 = arith.constant 14 : i32
    "tpu.region"() ({
      %run_scoped3A_83 = tpu.sem_alloc : memref<!tpu.dma_semaphore, #tpu.memory_space<semaphore_mem>>
      %dma_start3A = arith.constant 0 : i32
      %dma_start3A_84 = tpu.memref_slice %arg7[%run_scoped3A_47, %dma_start3A] : memref<32x512xf32, #tpu.memory_space<vmem>> -> memref<1x512xf32, #tpu.memory_space<vmem>>
      %dma_start3A_85 = tpu.memref_squeeze %dma_start3A_84 : memref<1x512xf32, #tpu.memory_space<vmem>> -> memref<512xf32, #tpu.memory_space<vmem>>
      %dma_start3A_86 = arith.constant 0 : i32
      %dma_start3A_87 = tpu.memref_slice %arg4[%run_scoped3A_48, %dma_start3A_86] : memref<32x16384xf32, #tpu.memory_space<hbm>> -> memref<1x16384xf32, #tpu.memory_space<hbm>>
      %dma_start3A_88 = tpu.memref_squeeze %dma_start3A_87 : memref<1x16384xf32, #tpu.memory_space<hbm>> -> memref<16384xf32, #tpu.memory_space<hbm>>
      %dma_start3A_89 = tpu.memref_slice %dma_start3A_88[%mul3A_2] : memref<16384xf32, #tpu.memory_space<hbm>> -> memref<512xf32, #tpu.memory_space<hbm>>
      %dma_start3A_90 = arith.constant 0 : i32
      %dma_start3A_91 = tpu.memref_slice %arg4[%run_scoped3A_48, %dma_start3A_90] : memref<32x16384xf32, #tpu.memory_space<hbm>> -> memref<1x16384xf32, #tpu.memory_space<hbm>>
      %dma_start3A_92 = tpu.memref_squeeze %dma_start3A_91 : memref<1x16384xf32, #tpu.memory_space<hbm>> -> memref<16384xf32, #tpu.memory_space<hbm>>
      %dma_start3A_93 = tpu.memref_slice %dma_start3A_92[%mul3A_2] : memref<16384xf32, #tpu.memory_space<hbm>> -> memref<512xf32, #tpu.memory_space<hbm>>
      %dma_start3A_94 = arith.constant 0 : i32
      %dma_start3A_95 = tpu.memref_slice %arg7[%run_scoped3A_47, %dma_start3A_94] : memref<32x512xf32, #tpu.memory_space<vmem>> -> memref<1x512xf32, #tpu.memory_space<vmem>>
      %dma_start3A_96 = tpu.memref_squeeze %dma_start3A_95 : memref<1x512xf32, #tpu.memory_space<vmem>> -> memref<512xf32, #tpu.memory_space<vmem>>
      tpu.enqueue_dma source(%dma_start3A_96 : memref<512xf32, #tpu.memory_space<vmem>>) target(%dma_start3A_93 : memref<512xf32, #tpu.memory_space<hbm>>) target_semaphore(%run_scoped3A_83 : memref<!tpu.dma_semaphore, #tpu.memory_space<semaphore_mem>>)
      %dma_wait3A = arith.constant 0 : i32
      %dma_wait3A_97 = tpu.memref_slice %arg7[%run_scoped3A_47, %dma_wait3A] : memref<32x512xf32, #tpu.memory_space<vmem>> -> memref<1x512xf32, #tpu.memory_space<vmem>>
      %dma_wait3A_98 = tpu.memref_squeeze %dma_wait3A_97 : memref<1x512xf32, #tpu.memory_space<vmem>> -> memref<512xf32, #tpu.memory_space<vmem>>
      %dma_wait3A_99 = arith.constant 0 : i32
      %dma_wait3A_100 = tpu.memref_slice %arg4[%run_scoped3A_48, %dma_wait3A_99] : memref<32x16384xf32, #tpu.memory_space<hbm>> -> memref<1x16384xf32, #tpu.memory_space<hbm>>
      %dma_wait3A_101 = tpu.memref_squeeze %dma_wait3A_100 : memref<1x16384xf32, #tpu.memory_space<hbm>> -> memref<16384xf32, #tpu.memory_space<hbm>>
      %dma_wait3A_102 = tpu.memref_slice %dma_wait3A_101[%mul3A_2] : memref<16384xf32, #tpu.memory_space<hbm>> -> memref<512xf32, #tpu.memory_space<hbm>>
      %dma_wait3A_103 = arith.constant 0 : i32
      %dma_wait3A_104 = tpu.memref_slice %arg4[%run_scoped3A_48, %dma_wait3A_103] : memref<32x16384xf32, #tpu.memory_space<hbm>> -> memref<1x16384xf32, #tpu.memory_space<hbm>>
      %dma_wait3A_105 = tpu.memref_squeeze %dma_wait3A_104 : memref<1x16384xf32, #tpu.memory_space<hbm>> -> memref<16384xf32, #tpu.memory_space<hbm>>
      %dma_wait3A_106 = tpu.memref_slice %dma_wait3A_105[%mul3A_2] : memref<16384xf32, #tpu.memory_space<hbm>> -> memref<512xf32, #tpu.memory_space<hbm>>
      %dma_wait3A_107 = arith.constant 0 : i32
      %dma_wait3A_108 = tpu.memref_slice %arg7[%run_scoped3A_47, %dma_wait3A_107] : memref<32x512xf32, #tpu.memory_space<vmem>> -> memref<1x512xf32, #tpu.memory_space<vmem>>
      %dma_wait3A_109 = tpu.memref_squeeze %dma_wait3A_108 : memref<1x512xf32, #tpu.memory_space<vmem>> -> memref<512xf32, #tpu.memory_space<vmem>>
      tpu.wait_dma2 semaphore(%run_scoped3A_83 : memref<!tpu.dma_semaphore, #tpu.memory_space<semaphore_mem>>) src(%dma_wait3A_109 : memref<512xf32, #tpu.memory_space<vmem>>) dst(%dma_wait3A_106 : memref<512xf32, #tpu.memory_space<hbm>>)
      tpu.yield
    }) : () -> ()
    %run_scoped3A_49 = arith.constant 15 : i32
    %run_scoped3A_50 = arith.constant 15 : i32
    "tpu.region"() ({
      %run_scoped3A_83 = tpu.sem_alloc : memref<!tpu.dma_semaphore, #tpu.memory_space<semaphore_mem>>
      %dma_start3A = arith.constant 0 : i32
      %dma_start3A_84 = tpu.memref_slice %arg7[%run_scoped3A_49, %dma_start3A] : memref<32x512xf32, #tpu.memory_space<vmem>> -> memref<1x512xf32, #tpu.memory_space<vmem>>
      %dma_start3A_85 = tpu.memref_squeeze %dma_start3A_84 : memref<1x512xf32, #tpu.memory_space<vmem>> -> memref<512xf32, #tpu.memory_space<vmem>>
      %dma_start3A_86 = arith.constant 0 : i32
      %dma_start3A_87 = tpu.memref_slice %arg4[%run_scoped3A_50, %dma_start3A_86] : memref<32x16384xf32, #tpu.memory_space<hbm>> -> memref<1x16384xf32, #tpu.memory_space<hbm>>
      %dma_start3A_88 = tpu.memref_squeeze %dma_start3A_87 : memref<1x16384xf32, #tpu.memory_space<hbm>> -> memref<16384xf32, #tpu.memory_space<hbm>>
      %dma_start3A_89 = tpu.memref_slice %dma_start3A_88[%mul3A_2] : memref<16384xf32, #tpu.memory_space<hbm>> -> memref<512xf32, #tpu.memory_space<hbm>>
      %dma_start3A_90 = arith.constant 0 : i32
      %dma_start3A_91 = tpu.memref_slice %arg4[%run_scoped3A_50, %dma_start3A_90] : memref<32x16384xf32, #tpu.memory_space<hbm>> -> memref<1x16384xf32, #tpu.memory_space<hbm>>
      %dma_start3A_92 = tpu.memref_squeeze %dma_start3A_91 : memref<1x16384xf32, #tpu.memory_space<hbm>> -> memref<16384xf32, #tpu.memory_space<hbm>>
      %dma_start3A_93 = tpu.memref_slice %dma_start3A_92[%mul3A_2] : memref<16384xf32, #tpu.memory_space<hbm>> -> memref<512xf32, #tpu.memory_space<hbm>>
      %dma_start3A_94 = arith.constant 0 : i32
      %dma_start3A_95 = tpu.memref_slice %arg7[%run_scoped3A_49, %dma_start3A_94] : memref<32x512xf32, #tpu.memory_space<vmem>> -> memref<1x512xf32, #tpu.memory_space<vmem>>
      %dma_start3A_96 = tpu.memref_squeeze %dma_start3A_95 : memref<1x512xf32, #tpu.memory_space<vmem>> -> memref<512xf32, #tpu.memory_space<vmem>>
      tpu.enqueue_dma source(%dma_start3A_96 : memref<512xf32, #tpu.memory_space<vmem>>) target(%dma_start3A_93 : memref<512xf32, #tpu.memory_space<hbm>>) target_semaphore(%run_scoped3A_83 : memref<!tpu.dma_semaphore, #tpu.memory_space<semaphore_mem>>)
      %dma_wait3A = arith.constant 0 : i32
      %dma_wait3A_97 = tpu.memref_slice %arg7[%run_scoped3A_49, %dma_wait3A] : memref<32x512xf32, #tpu.memory_space<vmem>> -> memref<1x512xf32, #tpu.memory_space<vmem>>
      %dma_wait3A_98 = tpu.memref_squeeze %dma_wait3A_97 : memref<1x512xf32, #tpu.memory_space<vmem>> -> memref<512xf32, #tpu.memory_space<vmem>>
      %dma_wait3A_99 = arith.constant 0 : i32
      %dma_wait3A_100 = tpu.memref_slice %arg4[%run_scoped3A_50, %dma_wait3A_99] : memref<32x16384xf32, #tpu.memory_space<hbm>> -> memref<1x16384xf32, #tpu.memory_space<hbm>>
      %dma_wait3A_101 = tpu.memref_squeeze %dma_wait3A_100 : memref<1x16384xf32, #tpu.memory_space<hbm>> -> memref<16384xf32, #tpu.memory_space<hbm>>
      %dma_wait3A_102 = tpu.memref_slice %dma_wait3A_101[%mul3A_2] : memref<16384xf32, #tpu.memory_space<hbm>> -> memref<512xf32, #tpu.memory_space<hbm>>
      %dma_wait3A_103 = arith.constant 0 : i32
      %dma_wait3A_104 = tpu.memref_slice %arg4[%run_scoped3A_50, %dma_wait3A_103] : memref<32x16384xf32, #tpu.memory_space<hbm>> -> memref<1x16384xf32, #tpu.memory_space<hbm>>
      %dma_wait3A_105 = tpu.memref_squeeze %dma_wait3A_104 : memref<1x16384xf32, #tpu.memory_space<hbm>> -> memref<16384xf32, #tpu.memory_space<hbm>>
      %dma_wait3A_106 = tpu.memref_slice %dma_wait3A_105[%mul3A_2] : memref<16384xf32, #tpu.memory_space<hbm>> -> memref<512xf32, #tpu.memory_space<hbm>>
      %dma_wait3A_107 = arith.constant 0 : i32
      %dma_wait3A_108 = tpu.memref_slice %arg7[%run_scoped3A_49, %dma_wait3A_107] : memref<32x512xf32, #tpu.memory_space<vmem>> -> memref<1x512xf32, #tpu.memory_space<vmem>>
      %dma_wait3A_109 = tpu.memref_squeeze %dma_wait3A_108 : memref<1x512xf32, #tpu.memory_space<vmem>> -> memref<512xf32, #tpu.memory_space<vmem>>
      tpu.wait_dma2 semaphore(%run_scoped3A_83 : memref<!tpu.dma_semaphore, #tpu.memory_space<semaphore_mem>>) src(%dma_wait3A_109 : memref<512xf32, #tpu.memory_space<vmem>>) dst(%dma_wait3A_106 : memref<512xf32, #tpu.memory_space<hbm>>)
      tpu.yield
    }) : () -> ()
    %run_scoped3A_51 = arith.constant 16 : i32
    %run_scoped3A_52 = arith.constant 16 : i32
    "tpu.region"() ({
      %run_scoped3A_83 = tpu.sem_alloc : memref<!tpu.dma_semaphore, #tpu.memory_space<semaphore_mem>>
      %dma_start3A = arith.constant 0 : i32
      %dma_start3A_84 = tpu.memref_slice %arg7[%run_scoped3A_51, %dma_start3A] : memref<32x512xf32, #tpu.memory_space<vmem>> -> memref<1x512xf32, #tpu.memory_space<vmem>>
      %dma_start3A_85 = tpu.memref_squeeze %dma_start3A_84 : memref<1x512xf32, #tpu.memory_space<vmem>> -> memref<512xf32, #tpu.memory_space<vmem>>
      %dma_start3A_86 = arith.constant 0 : i32
      %dma_start3A_87 = tpu.memref_slice %arg4[%run_scoped3A_52, %dma_start3A_86] : memref<32x16384xf32, #tpu.memory_space<hbm>> -> memref<1x16384xf32, #tpu.memory_space<hbm>>
      %dma_start3A_88 = tpu.memref_squeeze %dma_start3A_87 : memref<1x16384xf32, #tpu.memory_space<hbm>> -> memref<16384xf32, #tpu.memory_space<hbm>>
      %dma_start3A_89 = tpu.memref_slice %dma_start3A_88[%mul3A_2] : memref<16384xf32, #tpu.memory_space<hbm>> -> memref<512xf32, #tpu.memory_space<hbm>>
      %dma_start3A_90 = arith.constant 0 : i32
      %dma_start3A_91 = tpu.memref_slice %arg4[%run_scoped3A_52, %dma_start3A_90] : memref<32x16384xf32, #tpu.memory_space<hbm>> -> memref<1x16384xf32, #tpu.memory_space<hbm>>
      %dma_start3A_92 = tpu.memref_squeeze %dma_start3A_91 : memref<1x16384xf32, #tpu.memory_space<hbm>> -> memref<16384xf32, #tpu.memory_space<hbm>>
      %dma_start3A_93 = tpu.memref_slice %dma_start3A_92[%mul3A_2] : memref<16384xf32, #tpu.memory_space<hbm>> -> memref<512xf32, #tpu.memory_space<hbm>>
      %dma_start3A_94 = arith.constant 0 : i32
      %dma_start3A_95 = tpu.memref_slice %arg7[%run_scoped3A_51, %dma_start3A_94] : memref<32x512xf32, #tpu.memory_space<vmem>> -> memref<1x512xf32, #tpu.memory_space<vmem>>
      %dma_start3A_96 = tpu.memref_squeeze %dma_start3A_95 : memref<1x512xf32, #tpu.memory_space<vmem>> -> memref<512xf32, #tpu.memory_space<vmem>>
      tpu.enqueue_dma source(%dma_start3A_96 : memref<512xf32, #tpu.memory_space<vmem>>) target(%dma_start3A_93 : memref<512xf32, #tpu.memory_space<hbm>>) target_semaphore(%run_scoped3A_83 : memref<!tpu.dma_semaphore, #tpu.memory_space<semaphore_mem>>)
      %dma_wait3A = arith.constant 0 : i32
      %dma_wait3A_97 = tpu.memref_slice %arg7[%run_scoped3A_51, %dma_wait3A] : memref<32x512xf32, #tpu.memory_space<vmem>> -> memref<1x512xf32, #tpu.memory_space<vmem>>
      %dma_wait3A_98 = tpu.memref_squeeze %dma_wait3A_97 : memref<1x512xf32, #tpu.memory_space<vmem>> -> memref<512xf32, #tpu.memory_space<vmem>>
      %dma_wait3A_99 = arith.constant 0 : i32
      %dma_wait3A_100 = tpu.memref_slice %arg4[%run_scoped3A_52, %dma_wait3A_99] : memref<32x16384xf32, #tpu.memory_space<hbm>> -> memref<1x16384xf32, #tpu.memory_space<hbm>>
      %dma_wait3A_101 = tpu.memref_squeeze %dma_wait3A_100 : memref<1x16384xf32, #tpu.memory_space<hbm>> -> memref<16384xf32, #tpu.memory_space<hbm>>
      %dma_wait3A_102 = tpu.memref_slice %dma_wait3A_101[%mul3A_2] : memref<16384xf32, #tpu.memory_space<hbm>> -> memref<512xf32, #tpu.memory_space<hbm>>
      %dma_wait3A_103 = arith.constant 0 : i32
      %dma_wait3A_104 = tpu.memref_slice %arg4[%run_scoped3A_52, %dma_wait3A_103] : memref<32x16384xf32, #tpu.memory_space<hbm>> -> memref<1x16384xf32, #tpu.memory_space<hbm>>
      %dma_wait3A_105 = tpu.memref_squeeze %dma_wait3A_104 : memref<1x16384xf32, #tpu.memory_space<hbm>> -> memref<16384xf32, #tpu.memory_space<hbm>>
      %dma_wait3A_106 = tpu.memref_slice %dma_wait3A_105[%mul3A_2] : memref<16384xf32, #tpu.memory_space<hbm>> -> memref<512xf32, #tpu.memory_space<hbm>>
      %dma_wait3A_107 = arith.constant 0 : i32
      %dma_wait3A_108 = tpu.memref_slice %arg7[%run_scoped3A_51, %dma_wait3A_107] : memref<32x512xf32, #tpu.memory_space<vmem>> -> memref<1x512xf32, #tpu.memory_space<vmem>>
      %dma_wait3A_109 = tpu.memref_squeeze %dma_wait3A_108 : memref<1x512xf32, #tpu.memory_space<vmem>> -> memref<512xf32, #tpu.memory_space<vmem>>
      tpu.wait_dma2 semaphore(%run_scoped3A_83 : memref<!tpu.dma_semaphore, #tpu.memory_space<semaphore_mem>>) src(%dma_wait3A_109 : memref<512xf32, #tpu.memory_space<vmem>>) dst(%dma_wait3A_106 : memref<512xf32, #tpu.memory_space<hbm>>)
      tpu.yield
    }) : () -> ()
    %run_scoped3A_53 = arith.constant 17 : i32
    %run_scoped3A_54 = arith.constant 17 : i32
    "tpu.region"() ({
      %run_scoped3A_83 = tpu.sem_alloc : memref<!tpu.dma_semaphore, #tpu.memory_space<semaphore_mem>>
      %dma_start3A = arith.constant 0 : i32
      %dma_start3A_84 = tpu.memref_slice %arg7[%run_scoped3A_53, %dma_start3A] : memref<32x512xf32, #tpu.memory_space<vmem>> -> memref<1x512xf32, #tpu.memory_space<vmem>>
      %dma_start3A_85 = tpu.memref_squeeze %dma_start3A_84 : memref<1x512xf32, #tpu.memory_space<vmem>> -> memref<512xf32, #tpu.memory_space<vmem>>
      %dma_start3A_86 = arith.constant 0 : i32
      %dma_start3A_87 = tpu.memref_slice %arg4[%run_scoped3A_54, %dma_start3A_86] : memref<32x16384xf32, #tpu.memory_space<hbm>> -> memref<1x16384xf32, #tpu.memory_space<hbm>>
      %dma_start3A_88 = tpu.memref_squeeze %dma_start3A_87 : memref<1x16384xf32, #tpu.memory_space<hbm>> -> memref<16384xf32, #tpu.memory_space<hbm>>
      %dma_start3A_89 = tpu.memref_slice %dma_start3A_88[%mul3A_2] : memref<16384xf32, #tpu.memory_space<hbm>> -> memref<512xf32, #tpu.memory_space<hbm>>
      %dma_start3A_90 = arith.constant 0 : i32
      %dma_start3A_91 = tpu.memref_slice %arg4[%run_scoped3A_54, %dma_start3A_90] : memref<32x16384xf32, #tpu.memory_space<hbm>> -> memref<1x16384xf32, #tpu.memory_space<hbm>>
      %dma_start3A_92 = tpu.memref_squeeze %dma_start3A_91 : memref<1x16384xf32, #tpu.memory_space<hbm>> -> memref<16384xf32, #tpu.memory_space<hbm>>
      %dma_start3A_93 = tpu.memref_slice %dma_start3A_92[%mul3A_2] : memref<16384xf32, #tpu.memory_space<hbm>> -> memref<512xf32, #tpu.memory_space<hbm>>
      %dma_start3A_94 = arith.constant 0 : i32
      %dma_start3A_95 = tpu.memref_slice %arg7[%run_scoped3A_53, %dma_start3A_94] : memref<32x512xf32, #tpu.memory_space<vmem>> -> memref<1x512xf32, #tpu.memory_space<vmem>>
      %dma_start3A_96 = tpu.memref_squeeze %dma_start3A_95 : memref<1x512xf32, #tpu.memory_space<vmem>> -> memref<512xf32, #tpu.memory_space<vmem>>
      tpu.enqueue_dma source(%dma_start3A_96 : memref<512xf32, #tpu.memory_space<vmem>>) target(%dma_start3A_93 : memref<512xf32, #tpu.memory_space<hbm>>) target_semaphore(%run_scoped3A_83 : memref<!tpu.dma_semaphore, #tpu.memory_space<semaphore_mem>>)
      %dma_wait3A = arith.constant 0 : i32
      %dma_wait3A_97 = tpu.memref_slice %arg7[%run_scoped3A_53, %dma_wait3A] : memref<32x512xf32, #tpu.memory_space<vmem>> -> memref<1x512xf32, #tpu.memory_space<vmem>>
      %dma_wait3A_98 = tpu.memref_squeeze %dma_wait3A_97 : memref<1x512xf32, #tpu.memory_space<vmem>> -> memref<512xf32, #tpu.memory_space<vmem>>
      %dma_wait3A_99 = arith.constant 0 : i32
      %dma_wait3A_100 = tpu.memref_slice %arg4[%run_scoped3A_54, %dma_wait3A_99] : memref<32x16384xf32, #tpu.memory_space<hbm>> -> memref<1x16384xf32, #tpu.memory_space<hbm>>
      %dma_wait3A_101 = tpu.memref_squeeze %dma_wait3A_100 : memref<1x16384xf32, #tpu.memory_space<hbm>> -> memref<16384xf32, #tpu.memory_space<hbm>>
      %dma_wait3A_102 = tpu.memref_slice %dma_wait3A_101[%mul3A_2] : memref<16384xf32, #tpu.memory_space<hbm>> -> memref<512xf32, #tpu.memory_space<hbm>>
      %dma_wait3A_103 = arith.constant 0 : i32
      %dma_wait3A_104 = tpu.memref_slice %arg4[%run_scoped3A_54, %dma_wait3A_103] : memref<32x16384xf32, #tpu.memory_space<hbm>> -> memref<1x16384xf32, #tpu.memory_space<hbm>>
      %dma_wait3A_105 = tpu.memref_squeeze %dma_wait3A_104 : memref<1x16384xf32, #tpu.memory_space<hbm>> -> memref<16384xf32, #tpu.memory_space<hbm>>
      %dma_wait3A_106 = tpu.memref_slice %dma_wait3A_105[%mul3A_2] : memref<16384xf32, #tpu.memory_space<hbm>> -> memref<512xf32, #tpu.memory_space<hbm>>
      %dma_wait3A_107 = arith.constant 0 : i32
      %dma_wait3A_108 = tpu.memref_slice %arg7[%run_scoped3A_53, %dma_wait3A_107] : memref<32x512xf32, #tpu.memory_space<vmem>> -> memref<1x512xf32, #tpu.memory_space<vmem>>
      %dma_wait3A_109 = tpu.memref_squeeze %dma_wait3A_108 : memref<1x512xf32, #tpu.memory_space<vmem>> -> memref<512xf32, #tpu.memory_space<vmem>>
      tpu.wait_dma2 semaphore(%run_scoped3A_83 : memref<!tpu.dma_semaphore, #tpu.memory_space<semaphore_mem>>) src(%dma_wait3A_109 : memref<512xf32, #tpu.memory_space<vmem>>) dst(%dma_wait3A_106 : memref<512xf32, #tpu.memory_space<hbm>>)
      tpu.yield
    }) : () -> ()
    %run_scoped3A_55 = arith.constant 18 : i32
    %run_scoped3A_56 = arith.constant 18 : i32
    "tpu.region"() ({
      %run_scoped3A_83 = tpu.sem_alloc : memref<!tpu.dma_semaphore, #tpu.memory_space<semaphore_mem>>
      %dma_start3A = arith.constant 0 : i32
      %dma_start3A_84 = tpu.memref_slice %arg7[%run_scoped3A_55, %dma_start3A] : memref<32x512xf32, #tpu.memory_space<vmem>> -> memref<1x512xf32, #tpu.memory_space<vmem>>
      %dma_start3A_85 = tpu.memref_squeeze %dma_start3A_84 : memref<1x512xf32, #tpu.memory_space<vmem>> -> memref<512xf32, #tpu.memory_space<vmem>>
      %dma_start3A_86 = arith.constant 0 : i32
      %dma_start3A_87 = tpu.memref_slice %arg4[%run_scoped3A_56, %dma_start3A_86] : memref<32x16384xf32, #tpu.memory_space<hbm>> -> memref<1x16384xf32, #tpu.memory_space<hbm>>
      %dma_start3A_88 = tpu.memref_squeeze %dma_start3A_87 : memref<1x16384xf32, #tpu.memory_space<hbm>> -> memref<16384xf32, #tpu.memory_space<hbm>>
      %dma_start3A_89 = tpu.memref_slice %dma_start3A_88[%mul3A_2] : memref<16384xf32, #tpu.memory_space<hbm>> -> memref<512xf32, #tpu.memory_space<hbm>>
      %dma_start3A_90 = arith.constant 0 : i32
      %dma_start3A_91 = tpu.memref_slice %arg4[%run_scoped3A_56, %dma_start3A_90] : memref<32x16384xf32, #tpu.memory_space<hbm>> -> memref<1x16384xf32, #tpu.memory_space<hbm>>
      %dma_start3A_92 = tpu.memref_squeeze %dma_start3A_91 : memref<1x16384xf32, #tpu.memory_space<hbm>> -> memref<16384xf32, #tpu.memory_space<hbm>>
      %dma_start3A_93 = tpu.memref_slice %dma_start3A_92[%mul3A_2] : memref<16384xf32, #tpu.memory_space<hbm>> -> memref<512xf32, #tpu.memory_space<hbm>>
      %dma_start3A_94 = arith.constant 0 : i32
      %dma_start3A_95 = tpu.memref_slice %arg7[%run_scoped3A_55, %dma_start3A_94] : memref<32x512xf32, #tpu.memory_space<vmem>> -> memref<1x512xf32, #tpu.memory_space<vmem>>
      %dma_start3A_96 = tpu.memref_squeeze %dma_start3A_95 : memref<1x512xf32, #tpu.memory_space<vmem>> -> memref<512xf32, #tpu.memory_space<vmem>>
      tpu.enqueue_dma source(%dma_start3A_96 : memref<512xf32, #tpu.memory_space<vmem>>) target(%dma_start3A_93 : memref<512xf32, #tpu.memory_space<hbm>>) target_semaphore(%run_scoped3A_83 : memref<!tpu.dma_semaphore, #tpu.memory_space<semaphore_mem>>)
      %dma_wait3A = arith.constant 0 : i32
      %dma_wait3A_97 = tpu.memref_slice %arg7[%run_scoped3A_55, %dma_wait3A] : memref<32x512xf32, #tpu.memory_space<vmem>> -> memref<1x512xf32, #tpu.memory_space<vmem>>
      %dma_wait3A_98 = tpu.memref_squeeze %dma_wait3A_97 : memref<1x512xf32, #tpu.memory_space<vmem>> -> memref<512xf32, #tpu.memory_space<vmem>>
      %dma_wait3A_99 = arith.constant 0 : i32
      %dma_wait3A_100 = tpu.memref_slice %arg4[%run_scoped3A_56, %dma_wait3A_99] : memref<32x16384xf32, #tpu.memory_space<hbm>> -> memref<1x16384xf32, #tpu.memory_space<hbm>>
      %dma_wait3A_101 = tpu.memref_squeeze %dma_wait3A_100 : memref<1x16384xf32, #tpu.memory_space<hbm>> -> memref<16384xf32, #tpu.memory_space<hbm>>
      %dma_wait3A_102 = tpu.memref_slice %dma_wait3A_101[%mul3A_2] : memref<16384xf32, #tpu.memory_space<hbm>> -> memref<512xf32, #tpu.memory_space<hbm>>
      %dma_wait3A_103 = arith.constant 0 : i32
      %dma_wait3A_104 = tpu.memref_slice %arg4[%run_scoped3A_56, %dma_wait3A_103] : memref<32x16384xf32, #tpu.memory_space<hbm>> -> memref<1x16384xf32, #tpu.memory_space<hbm>>
      %dma_wait3A_105 = tpu.memref_squeeze %dma_wait3A_104 : memref<1x16384xf32, #tpu.memory_space<hbm>> -> memref<16384xf32, #tpu.memory_space<hbm>>
      %dma_wait3A_106 = tpu.memref_slice %dma_wait3A_105[%mul3A_2] : memref<16384xf32, #tpu.memory_space<hbm>> -> memref<512xf32, #tpu.memory_space<hbm>>
      %dma_wait3A_107 = arith.constant 0 : i32
      %dma_wait3A_108 = tpu.memref_slice %arg7[%run_scoped3A_55, %dma_wait3A_107] : memref<32x512xf32, #tpu.memory_space<vmem>> -> memref<1x512xf32, #tpu.memory_space<vmem>>
      %dma_wait3A_109 = tpu.memref_squeeze %dma_wait3A_108 : memref<1x512xf32, #tpu.memory_space<vmem>> -> memref<512xf32, #tpu.memory_space<vmem>>
      tpu.wait_dma2 semaphore(%run_scoped3A_83 : memref<!tpu.dma_semaphore, #tpu.memory_space<semaphore_mem>>) src(%dma_wait3A_109 : memref<512xf32, #tpu.memory_space<vmem>>) dst(%dma_wait3A_106 : memref<512xf32, #tpu.memory_space<hbm>>)
      tpu.yield
    }) : () -> ()
    %run_scoped3A_57 = arith.constant 19 : i32
    %run_scoped3A_58 = arith.constant 19 : i32
    "tpu.region"() ({
      %run_scoped3A_83 = tpu.sem_alloc : memref<!tpu.dma_semaphore, #tpu.memory_space<semaphore_mem>>
      %dma_start3A = arith.constant 0 : i32
      %dma_start3A_84 = tpu.memref_slice %arg7[%run_scoped3A_57, %dma_start3A] : memref<32x512xf32, #tpu.memory_space<vmem>> -> memref<1x512xf32, #tpu.memory_space<vmem>>
      %dma_start3A_85 = tpu.memref_squeeze %dma_start3A_84 : memref<1x512xf32, #tpu.memory_space<vmem>> -> memref<512xf32, #tpu.memory_space<vmem>>
      %dma_start3A_86 = arith.constant 0 : i32
      %dma_start3A_87 = tpu.memref_slice %arg4[%run_scoped3A_58, %dma_start3A_86] : memref<32x16384xf32, #tpu.memory_space<hbm>> -> memref<1x16384xf32, #tpu.memory_space<hbm>>
      %dma_start3A_88 = tpu.memref_squeeze %dma_start3A_87 : memref<1x16384xf32, #tpu.memory_space<hbm>> -> memref<16384xf32, #tpu.memory_space<hbm>>
      %dma_start3A_89 = tpu.memref_slice %dma_start3A_88[%mul3A_2] : memref<16384xf32, #tpu.memory_space<hbm>> -> memref<512xf32, #tpu.memory_space<hbm>>
      %dma_start3A_90 = arith.constant 0 : i32
      %dma_start3A_91 = tpu.memref_slice %arg4[%run_scoped3A_58, %dma_start3A_90] : memref<32x16384xf32, #tpu.memory_space<hbm>> -> memref<1x16384xf32, #tpu.memory_space<hbm>>
      %dma_start3A_92 = tpu.memref_squeeze %dma_start3A_91 : memref<1x16384xf32, #tpu.memory_space<hbm>> -> memref<16384xf32, #tpu.memory_space<hbm>>
      %dma_start3A_93 = tpu.memref_slice %dma_start3A_92[%mul3A_2] : memref<16384xf32, #tpu.memory_space<hbm>> -> memref<512xf32, #tpu.memory_space<hbm>>
      %dma_start3A_94 = arith.constant 0 : i32
      %dma_start3A_95 = tpu.memref_slice %arg7[%run_scoped3A_57, %dma_start3A_94] : memref<32x512xf32, #tpu.memory_space<vmem>> -> memref<1x512xf32, #tpu.memory_space<vmem>>
      %dma_start3A_96 = tpu.memref_squeeze %dma_start3A_95 : memref<1x512xf32, #tpu.memory_space<vmem>> -> memref<512xf32, #tpu.memory_space<vmem>>
      tpu.enqueue_dma source(%dma_start3A_96 : memref<512xf32, #tpu.memory_space<vmem>>) target(%dma_start3A_93 : memref<512xf32, #tpu.memory_space<hbm>>) target_semaphore(%run_scoped3A_83 : memref<!tpu.dma_semaphore, #tpu.memory_space<semaphore_mem>>)
      %dma_wait3A = arith.constant 0 : i32
      %dma_wait3A_97 = tpu.memref_slice %arg7[%run_scoped3A_57, %dma_wait3A] : memref<32x512xf32, #tpu.memory_space<vmem>> -> memref<1x512xf32, #tpu.memory_space<vmem>>
      %dma_wait3A_98 = tpu.memref_squeeze %dma_wait3A_97 : memref<1x512xf32, #tpu.memory_space<vmem>> -> memref<512xf32, #tpu.memory_space<vmem>>
      %dma_wait3A_99 = arith.constant 0 : i32
      %dma_wait3A_100 = tpu.memref_slice %arg4[%run_scoped3A_58, %dma_wait3A_99] : memref<32x16384xf32, #tpu.memory_space<hbm>> -> memref<1x16384xf32, #tpu.memory_space<hbm>>
      %dma_wait3A_101 = tpu.memref_squeeze %dma_wait3A_100 : memref<1x16384xf32, #tpu.memory_space<hbm>> -> memref<16384xf32, #tpu.memory_space<hbm>>
      %dma_wait3A_102 = tpu.memref_slice %dma_wait3A_101[%mul3A_2] : memref<16384xf32, #tpu.memory_space<hbm>> -> memref<512xf32, #tpu.memory_space<hbm>>
      %dma_wait3A_103 = arith.constant 0 : i32
      %dma_wait3A_104 = tpu.memref_slice %arg4[%run_scoped3A_58, %dma_wait3A_103] : memref<32x16384xf32, #tpu.memory_space<hbm>> -> memref<1x16384xf32, #tpu.memory_space<hbm>>
      %dma_wait3A_105 = tpu.memref_squeeze %dma_wait3A_104 : memref<1x16384xf32, #tpu.memory_space<hbm>> -> memref<16384xf32, #tpu.memory_space<hbm>>
      %dma_wait3A_106 = tpu.memref_slice %dma_wait3A_105[%mul3A_2] : memref<16384xf32, #tpu.memory_space<hbm>> -> memref<512xf32, #tpu.memory_space<hbm>>
      %dma_wait3A_107 = arith.constant 0 : i32
      %dma_wait3A_108 = tpu.memref_slice %arg7[%run_scoped3A_57, %dma_wait3A_107] : memref<32x512xf32, #tpu.memory_space<vmem>> -> memref<1x512xf32, #tpu.memory_space<vmem>>
      %dma_wait3A_109 = tpu.memref_squeeze %dma_wait3A_108 : memref<1x512xf32, #tpu.memory_space<vmem>> -> memref<512xf32, #tpu.memory_space<vmem>>
      tpu.wait_dma2 semaphore(%run_scoped3A_83 : memref<!tpu.dma_semaphore, #tpu.memory_space<semaphore_mem>>) src(%dma_wait3A_109 : memref<512xf32, #tpu.memory_space<vmem>>) dst(%dma_wait3A_106 : memref<512xf32, #tpu.memory_space<hbm>>)
      tpu.yield
    }) : () -> ()
    %run_scoped3A_59 = arith.constant 20 : i32
    %run_scoped3A_60 = arith.constant 20 : i32
    "tpu.region"() ({
      %run_scoped3A_83 = tpu.sem_alloc : memref<!tpu.dma_semaphore, #tpu.memory_space<semaphore_mem>>
      %dma_start3A = arith.constant 0 : i32
      %dma_start3A_84 = tpu.memref_slice %arg7[%run_scoped3A_59, %dma_start3A] : memref<32x512xf32, #tpu.memory_space<vmem>> -> memref<1x512xf32, #tpu.memory_space<vmem>>
      %dma_start3A_85 = tpu.memref_squeeze %dma_start3A_84 : memref<1x512xf32, #tpu.memory_space<vmem>> -> memref<512xf32, #tpu.memory_space<vmem>>
      %dma_start3A_86 = arith.constant 0 : i32
      %dma_start3A_87 = tpu.memref_slice %arg4[%run_scoped3A_60, %dma_start3A_86] : memref<32x16384xf32, #tpu.memory_space<hbm>> -> memref<1x16384xf32, #tpu.memory_space<hbm>>
      %dma_start3A_88 = tpu.memref_squeeze %dma_start3A_87 : memref<1x16384xf32, #tpu.memory_space<hbm>> -> memref<16384xf32, #tpu.memory_space<hbm>>
      %dma_start3A_89 = tpu.memref_slice %dma_start3A_88[%mul3A_2] : memref<16384xf32, #tpu.memory_space<hbm>> -> memref<512xf32, #tpu.memory_space<hbm>>
      %dma_start3A_90 = arith.constant 0 : i32
      %dma_start3A_91 = tpu.memref_slice %arg4[%run_scoped3A_60, %dma_start3A_90] : memref<32x16384xf32, #tpu.memory_space<hbm>> -> memref<1x16384xf32, #tpu.memory_space<hbm>>
      %dma_start3A_92 = tpu.memref_squeeze %dma_start3A_91 : memref<1x16384xf32, #tpu.memory_space<hbm>> -> memref<16384xf32, #tpu.memory_space<hbm>>
      %dma_start3A_93 = tpu.memref_slice %dma_start3A_92[%mul3A_2] : memref<16384xf32, #tpu.memory_space<hbm>> -> memref<512xf32, #tpu.memory_space<hbm>>
      %dma_start3A_94 = arith.constant 0 : i32
      %dma_start3A_95 = tpu.memref_slice %arg7[%run_scoped3A_59, %dma_start3A_94] : memref<32x512xf32, #tpu.memory_space<vmem>> -> memref<1x512xf32, #tpu.memory_space<vmem>>
      %dma_start3A_96 = tpu.memref_squeeze %dma_start3A_95 : memref<1x512xf32, #tpu.memory_space<vmem>> -> memref<512xf32, #tpu.memory_space<vmem>>
      tpu.enqueue_dma source(%dma_start3A_96 : memref<512xf32, #tpu.memory_space<vmem>>) target(%dma_start3A_93 : memref<512xf32, #tpu.memory_space<hbm>>) target_semaphore(%run_scoped3A_83 : memref<!tpu.dma_semaphore, #tpu.memory_space<semaphore_mem>>)
      %dma_wait3A = arith.constant 0 : i32
      %dma_wait3A_97 = tpu.memref_slice %arg7[%run_scoped3A_59, %dma_wait3A] : memref<32x512xf32, #tpu.memory_space<vmem>> -> memref<1x512xf32, #tpu.memory_space<vmem>>
      %dma_wait3A_98 = tpu.memref_squeeze %dma_wait3A_97 : memref<1x512xf32, #tpu.memory_space<vmem>> -> memref<512xf32, #tpu.memory_space<vmem>>
      %dma_wait3A_99 = arith.constant 0 : i32
      %dma_wait3A_100 = tpu.memref_slice %arg4[%run_scoped3A_60, %dma_wait3A_99] : memref<32x16384xf32, #tpu.memory_space<hbm>> -> memref<1x16384xf32, #tpu.memory_space<hbm>>
      %dma_wait3A_101 = tpu.memref_squeeze %dma_wait3A_100 : memref<1x16384xf32, #tpu.memory_space<hbm>> -> memref<16384xf32, #tpu.memory_space<hbm>>
      %dma_wait3A_102 = tpu.memref_slice %dma_wait3A_101[%mul3A_2] : memref<16384xf32, #tpu.memory_space<hbm>> -> memref<512xf32, #tpu.memory_space<hbm>>
      %dma_wait3A_103 = arith.constant 0 : i32
      %dma_wait3A_104 = tpu.memref_slice %arg4[%run_scoped3A_60, %dma_wait3A_103] : memref<32x16384xf32, #tpu.memory_space<hbm>> -> memref<1x16384xf32, #tpu.memory_space<hbm>>
      %dma_wait3A_105 = tpu.memref_squeeze %dma_wait3A_104 : memref<1x16384xf32, #tpu.memory_space<hbm>> -> memref<16384xf32, #tpu.memory_space<hbm>>
      %dma_wait3A_106 = tpu.memref_slice %dma_wait3A_105[%mul3A_2] : memref<16384xf32, #tpu.memory_space<hbm>> -> memref<512xf32, #tpu.memory_space<hbm>>
      %dma_wait3A_107 = arith.constant 0 : i32
      %dma_wait3A_108 = tpu.memref_slice %arg7[%run_scoped3A_59, %dma_wait3A_107] : memref<32x512xf32, #tpu.memory_space<vmem>> -> memref<1x512xf32, #tpu.memory_space<vmem>>
      %dma_wait3A_109 = tpu.memref_squeeze %dma_wait3A_108 : memref<1x512xf32, #tpu.memory_space<vmem>> -> memref<512xf32, #tpu.memory_space<vmem>>
      tpu.wait_dma2 semaphore(%run_scoped3A_83 : memref<!tpu.dma_semaphore, #tpu.memory_space<semaphore_mem>>) src(%dma_wait3A_109 : memref<512xf32, #tpu.memory_space<vmem>>) dst(%dma_wait3A_106 : memref<512xf32, #tpu.memory_space<hbm>>)
      tpu.yield
    }) : () -> ()
    %run_scoped3A_61 = arith.constant 21 : i32
    %run_scoped3A_62 = arith.constant 21 : i32
    "tpu.region"() ({
      %run_scoped3A_83 = tpu.sem_alloc : memref<!tpu.dma_semaphore, #tpu.memory_space<semaphore_mem>>
      %dma_start3A = arith.constant 0 : i32
      %dma_start3A_84 = tpu.memref_slice %arg7[%run_scoped3A_61, %dma_start3A] : memref<32x512xf32, #tpu.memory_space<vmem>> -> memref<1x512xf32, #tpu.memory_space<vmem>>
      %dma_start3A_85 = tpu.memref_squeeze %dma_start3A_84 : memref<1x512xf32, #tpu.memory_space<vmem>> -> memref<512xf32, #tpu.memory_space<vmem>>
      %dma_start3A_86 = arith.constant 0 : i32
      %dma_start3A_87 = tpu.memref_slice %arg4[%run_scoped3A_62, %dma_start3A_86] : memref<32x16384xf32, #tpu.memory_space<hbm>> -> memref<1x16384xf32, #tpu.memory_space<hbm>>
      %dma_start3A_88 = tpu.memref_squeeze %dma_start3A_87 : memref<1x16384xf32, #tpu.memory_space<hbm>> -> memref<16384xf32, #tpu.memory_space<hbm>>
      %dma_start3A_89 = tpu.memref_slice %dma_start3A_88[%mul3A_2] : memref<16384xf32, #tpu.memory_space<hbm>> -> memref<512xf32, #tpu.memory_space<hbm>>
      %dma_start3A_90 = arith.constant 0 : i32
      %dma_start3A_91 = tpu.memref_slice %arg4[%run_scoped3A_62, %dma_start3A_90] : memref<32x16384xf32, #tpu.memory_space<hbm>> -> memref<1x16384xf32, #tpu.memory_space<hbm>>
      %dma_start3A_92 = tpu.memref_squeeze %dma_start3A_91 : memref<1x16384xf32, #tpu.memory_space<hbm>> -> memref<16384xf32, #tpu.memory_space<hbm>>
      %dma_start3A_93 = tpu.memref_slice %dma_start3A_92[%mul3A_2] : memref<16384xf32, #tpu.memory_space<hbm>> -> memref<512xf32, #tpu.memory_space<hbm>>
      %dma_start3A_94 = arith.constant 0 : i32
      %dma_start3A_95 = tpu.memref_slice %arg7[%run_scoped3A_61, %dma_start3A_94] : memref<32x512xf32, #tpu.memory_space<vmem>> -> memref<1x512xf32, #tpu.memory_space<vmem>>
      %dma_start3A_96 = tpu.memref_squeeze %dma_start3A_95 : memref<1x512xf32, #tpu.memory_space<vmem>> -> memref<512xf32, #tpu.memory_space<vmem>>
      tpu.enqueue_dma source(%dma_start3A_96 : memref<512xf32, #tpu.memory_space<vmem>>) target(%dma_start3A_93 : memref<512xf32, #tpu.memory_space<hbm>>) target_semaphore(%run_scoped3A_83 : memref<!tpu.dma_semaphore, #tpu.memory_space<semaphore_mem>>)
      %dma_wait3A = arith.constant 0 : i32
      %dma_wait3A_97 = tpu.memref_slice %arg7[%run_scoped3A_61, %dma_wait3A] : memref<32x512xf32, #tpu.memory_space<vmem>> -> memref<1x512xf32, #tpu.memory_space<vmem>>
      %dma_wait3A_98 = tpu.memref_squeeze %dma_wait3A_97 : memref<1x512xf32, #tpu.memory_space<vmem>> -> memref<512xf32, #tpu.memory_space<vmem>>
      %dma_wait3A_99 = arith.constant 0 : i32
      %dma_wait3A_100 = tpu.memref_slice %arg4[%run_scoped3A_62, %dma_wait3A_99] : memref<32x16384xf32, #tpu.memory_space<hbm>> -> memref<1x16384xf32, #tpu.memory_space<hbm>>
      %dma_wait3A_101 = tpu.memref_squeeze %dma_wait3A_100 : memref<1x16384xf32, #tpu.memory_space<hbm>> -> memref<16384xf32, #tpu.memory_space<hbm>>
      %dma_wait3A_102 = tpu.memref_slice %dma_wait3A_101[%mul3A_2] : memref<16384xf32, #tpu.memory_space<hbm>> -> memref<512xf32, #tpu.memory_space<hbm>>
      %dma_wait3A_103 = arith.constant 0 : i32
      %dma_wait3A_104 = tpu.memref_slice %arg4[%run_scoped3A_62, %dma_wait3A_103] : memref<32x16384xf32, #tpu.memory_space<hbm>> -> memref<1x16384xf32, #tpu.memory_space<hbm>>
      %dma_wait3A_105 = tpu.memref_squeeze %dma_wait3A_104 : memref<1x16384xf32, #tpu.memory_space<hbm>> -> memref<16384xf32, #tpu.memory_space<hbm>>
      %dma_wait3A_106 = tpu.memref_slice %dma_wait3A_105[%mul3A_2] : memref<16384xf32, #tpu.memory_space<hbm>> -> memref<512xf32, #tpu.memory_space<hbm>>
      %dma_wait3A_107 = arith.constant 0 : i32
      %dma_wait3A_108 = tpu.memref_slice %arg7[%run_scoped3A_61, %dma_wait3A_107] : memref<32x512xf32, #tpu.memory_space<vmem>> -> memref<1x512xf32, #tpu.memory_space<vmem>>
      %dma_wait3A_109 = tpu.memref_squeeze %dma_wait3A_108 : memref<1x512xf32, #tpu.memory_space<vmem>> -> memref<512xf32, #tpu.memory_space<vmem>>
      tpu.wait_dma2 semaphore(%run_scoped3A_83 : memref<!tpu.dma_semaphore, #tpu.memory_space<semaphore_mem>>) src(%dma_wait3A_109 : memref<512xf32, #tpu.memory_space<vmem>>) dst(%dma_wait3A_106 : memref<512xf32, #tpu.memory_space<hbm>>)
      tpu.yield
    }) : () -> ()
    %run_scoped3A_63 = arith.constant 22 : i32
    %run_scoped3A_64 = arith.constant 22 : i32
    "tpu.region"() ({
      %run_scoped3A_83 = tpu.sem_alloc : memref<!tpu.dma_semaphore, #tpu.memory_space<semaphore_mem>>
      %dma_start3A = arith.constant 0 : i32
      %dma_start3A_84 = tpu.memref_slice %arg7[%run_scoped3A_63, %dma_start3A] : memref<32x512xf32, #tpu.memory_space<vmem>> -> memref<1x512xf32, #tpu.memory_space<vmem>>
      %dma_start3A_85 = tpu.memref_squeeze %dma_start3A_84 : memref<1x512xf32, #tpu.memory_space<vmem>> -> memref<512xf32, #tpu.memory_space<vmem>>
      %dma_start3A_86 = arith.constant 0 : i32
      %dma_start3A_87 = tpu.memref_slice %arg4[%run_scoped3A_64, %dma_start3A_86] : memref<32x16384xf32, #tpu.memory_space<hbm>> -> memref<1x16384xf32, #tpu.memory_space<hbm>>
      %dma_start3A_88 = tpu.memref_squeeze %dma_start3A_87 : memref<1x16384xf32, #tpu.memory_space<hbm>> -> memref<16384xf32, #tpu.memory_space<hbm>>
      %dma_start3A_89 = tpu.memref_slice %dma_start3A_88[%mul3A_2] : memref<16384xf32, #tpu.memory_space<hbm>> -> memref<512xf32, #tpu.memory_space<hbm>>
      %dma_start3A_90 = arith.constant 0 : i32
      %dma_start3A_91 = tpu.memref_slice %arg4[%run_scoped3A_64, %dma_start3A_90] : memref<32x16384xf32, #tpu.memory_space<hbm>> -> memref<1x16384xf32, #tpu.memory_space<hbm>>
      %dma_start3A_92 = tpu.memref_squeeze %dma_start3A_91 : memref<1x16384xf32, #tpu.memory_space<hbm>> -> memref<16384xf32, #tpu.memory_space<hbm>>
      %dma_start3A_93 = tpu.memref_slice %dma_start3A_92[%mul3A_2] : memref<16384xf32, #tpu.memory_space<hbm>> -> memref<512xf32, #tpu.memory_space<hbm>>
      %dma_start3A_94 = arith.constant 0 : i32
      %dma_start3A_95 = tpu.memref_slice %arg7[%run_scoped3A_63, %dma_start3A_94] : memref<32x512xf32, #tpu.memory_space<vmem>> -> memref<1x512xf32, #tpu.memory_space<vmem>>
      %dma_start3A_96 = tpu.memref_squeeze %dma_start3A_95 : memref<1x512xf32, #tpu.memory_space<vmem>> -> memref<512xf32, #tpu.memory_space<vmem>>
      tpu.enqueue_dma source(%dma_start3A_96 : memref<512xf32, #tpu.memory_space<vmem>>) target(%dma_start3A_93 : memref<512xf32, #tpu.memory_space<hbm>>) target_semaphore(%run_scoped3A_83 : memref<!tpu.dma_semaphore, #tpu.memory_space<semaphore_mem>>)
      %dma_wait3A = arith.constant 0 : i32
      %dma_wait3A_97 = tpu.memref_slice %arg7[%run_scoped3A_63, %dma_wait3A] : memref<32x512xf32, #tpu.memory_space<vmem>> -> memref<1x512xf32, #tpu.memory_space<vmem>>
      %dma_wait3A_98 = tpu.memref_squeeze %dma_wait3A_97 : memref<1x512xf32, #tpu.memory_space<vmem>> -> memref<512xf32, #tpu.memory_space<vmem>>
      %dma_wait3A_99 = arith.constant 0 : i32
      %dma_wait3A_100 = tpu.memref_slice %arg4[%run_scoped3A_64, %dma_wait3A_99] : memref<32x16384xf32, #tpu.memory_space<hbm>> -> memref<1x16384xf32, #tpu.memory_space<hbm>>
      %dma_wait3A_101 = tpu.memref_squeeze %dma_wait3A_100 : memref<1x16384xf32, #tpu.memory_space<hbm>> -> memref<16384xf32, #tpu.memory_space<hbm>>
      %dma_wait3A_102 = tpu.memref_slice %dma_wait3A_101[%mul3A_2] : memref<16384xf32, #tpu.memory_space<hbm>> -> memref<512xf32, #tpu.memory_space<hbm>>
      %dma_wait3A_103 = arith.constant 0 : i32
      %dma_wait3A_104 = tpu.memref_slice %arg4[%run_scoped3A_64, %dma_wait3A_103] : memref<32x16384xf32, #tpu.memory_space<hbm>> -> memref<1x16384xf32, #tpu.memory_space<hbm>>
      %dma_wait3A_105 = tpu.memref_squeeze %dma_wait3A_104 : memref<1x16384xf32, #tpu.memory_space<hbm>> -> memref<16384xf32, #tpu.memory_space<hbm>>
      %dma_wait3A_106 = tpu.memref_slice %dma_wait3A_105[%mul3A_2] : memref<16384xf32, #tpu.memory_space<hbm>> -> memref<512xf32, #tpu.memory_space<hbm>>
      %dma_wait3A_107 = arith.constant 0 : i32
      %dma_wait3A_108 = tpu.memref_slice %arg7[%run_scoped3A_63, %dma_wait3A_107] : memref<32x512xf32, #tpu.memory_space<vmem>> -> memref<1x512xf32, #tpu.memory_space<vmem>>
      %dma_wait3A_109 = tpu.memref_squeeze %dma_wait3A_108 : memref<1x512xf32, #tpu.memory_space<vmem>> -> memref<512xf32, #tpu.memory_space<vmem>>
      tpu.wait_dma2 semaphore(%run_scoped3A_83 : memref<!tpu.dma_semaphore, #tpu.memory_space<semaphore_mem>>) src(%dma_wait3A_109 : memref<512xf32, #tpu.memory_space<vmem>>) dst(%dma_wait3A_106 : memref<512xf32, #tpu.memory_space<hbm>>)
      tpu.yield
    }) : () -> ()
    %run_scoped3A_65 = arith.constant 23 : i32
    %run_scoped3A_66 = arith.constant 23 : i32
    "tpu.region"() ({
      %run_scoped3A_83 = tpu.sem_alloc : memref<!tpu.dma_semaphore, #tpu.memory_space<semaphore_mem>>
      %dma_start3A = arith.constant 0 : i32
      %dma_start3A_84 = tpu.memref_slice %arg7[%run_scoped3A_65, %dma_start3A] : memref<32x512xf32, #tpu.memory_space<vmem>> -> memref<1x512xf32, #tpu.memory_space<vmem>>
      %dma_start3A_85 = tpu.memref_squeeze %dma_start3A_84 : memref<1x512xf32, #tpu.memory_space<vmem>> -> memref<512xf32, #tpu.memory_space<vmem>>
      %dma_start3A_86 = arith.constant 0 : i32
      %dma_start3A_87 = tpu.memref_slice %arg4[%run_scoped3A_66, %dma_start3A_86] : memref<32x16384xf32, #tpu.memory_space<hbm>> -> memref<1x16384xf32, #tpu.memory_space<hbm>>
      %dma_start3A_88 = tpu.memref_squeeze %dma_start3A_87 : memref<1x16384xf32, #tpu.memory_space<hbm>> -> memref<16384xf32, #tpu.memory_space<hbm>>
      %dma_start3A_89 = tpu.memref_slice %dma_start3A_88[%mul3A_2] : memref<16384xf32, #tpu.memory_space<hbm>> -> memref<512xf32, #tpu.memory_space<hbm>>
      %dma_start3A_90 = arith.constant 0 : i32
      %dma_start3A_91 = tpu.memref_slice %arg4[%run_scoped3A_66, %dma_start3A_90] : memref<32x16384xf32, #tpu.memory_space<hbm>> -> memref<1x16384xf32, #tpu.memory_space<hbm>>
      %dma_start3A_92 = tpu.memref_squeeze %dma_start3A_91 : memref<1x16384xf32, #tpu.memory_space<hbm>> -> memref<16384xf32, #tpu.memory_space<hbm>>
      %dma_start3A_93 = tpu.memref_slice %dma_start3A_92[%mul3A_2] : memref<16384xf32, #tpu.memory_space<hbm>> -> memref<512xf32, #tpu.memory_space<hbm>>
      %dma_start3A_94 = arith.constant 0 : i32
      %dma_start3A_95 = tpu.memref_slice %arg7[%run_scoped3A_65, %dma_start3A_94] : memref<32x512xf32, #tpu.memory_space<vmem>> -> memref<1x512xf32, #tpu.memory_space<vmem>>
      %dma_start3A_96 = tpu.memref_squeeze %dma_start3A_95 : memref<1x512xf32, #tpu.memory_space<vmem>> -> memref<512xf32, #tpu.memory_space<vmem>>
      tpu.enqueue_dma source(%dma_start3A_96 : memref<512xf32, #tpu.memory_space<vmem>>) target(%dma_start3A_93 : memref<512xf32, #tpu.memory_space<hbm>>) target_semaphore(%run_scoped3A_83 : memref<!tpu.dma_semaphore, #tpu.memory_space<semaphore_mem>>)
      %dma_wait3A = arith.constant 0 : i32
      %dma_wait3A_97 = tpu.memref_slice %arg7[%run_scoped3A_65, %dma_wait3A] : memref<32x512xf32, #tpu.memory_space<vmem>> -> memref<1x512xf32, #tpu.memory_space<vmem>>
      %dma_wait3A_98 = tpu.memref_squeeze %dma_wait3A_97 : memref<1x512xf32, #tpu.memory_space<vmem>> -> memref<512xf32, #tpu.memory_space<vmem>>
      %dma_wait3A_99 = arith.constant 0 : i32
      %dma_wait3A_100 = tpu.memref_slice %arg4[%run_scoped3A_66, %dma_wait3A_99] : memref<32x16384xf32, #tpu.memory_space<hbm>> -> memref<1x16384xf32, #tpu.memory_space<hbm>>
      %dma_wait3A_101 = tpu.memref_squeeze %dma_wait3A_100 : memref<1x16384xf32, #tpu.memory_space<hbm>> -> memref<16384xf32, #tpu.memory_space<hbm>>
      %dma_wait3A_102 = tpu.memref_slice %dma_wait3A_101[%mul3A_2] : memref<16384xf32, #tpu.memory_space<hbm>> -> memref<512xf32, #tpu.memory_space<hbm>>
      %dma_wait3A_103 = arith.constant 0 : i32
      %dma_wait3A_104 = tpu.memref_slice %arg4[%run_scoped3A_66, %dma_wait3A_103] : memref<32x16384xf32, #tpu.memory_space<hbm>> -> memref<1x16384xf32, #tpu.memory_space<hbm>>
      %dma_wait3A_105 = tpu.memref_squeeze %dma_wait3A_104 : memref<1x16384xf32, #tpu.memory_space<hbm>> -> memref<16384xf32, #tpu.memory_space<hbm>>
      %dma_wait3A_106 = tpu.memref_slice %dma_wait3A_105[%mul3A_2] : memref<16384xf32, #tpu.memory_space<hbm>> -> memref<512xf32, #tpu.memory_space<hbm>>
      %dma_wait3A_107 = arith.constant 0 : i32
      %dma_wait3A_108 = tpu.memref_slice %arg7[%run_scoped3A_65, %dma_wait3A_107] : memref<32x512xf32, #tpu.memory_space<vmem>> -> memref<1x512xf32, #tpu.memory_space<vmem>>
      %dma_wait3A_109 = tpu.memref_squeeze %dma_wait3A_108 : memref<1x512xf32, #tpu.memory_space<vmem>> -> memref<512xf32, #tpu.memory_space<vmem>>
      tpu.wait_dma2 semaphore(%run_scoped3A_83 : memref<!tpu.dma_semaphore, #tpu.memory_space<semaphore_mem>>) src(%dma_wait3A_109 : memref<512xf32, #tpu.memory_space<vmem>>) dst(%dma_wait3A_106 : memref<512xf32, #tpu.memory_space<hbm>>)
      tpu.yield
    }) : () -> ()
    %run_scoped3A_67 = arith.constant 24 : i32
    %run_scoped3A_68 = arith.constant 24 : i32
    "tpu.region"() ({
      %run_scoped3A_83 = tpu.sem_alloc : memref<!tpu.dma_semaphore, #tpu.memory_space<semaphore_mem>>
      %dma_start3A = arith.constant 0 : i32
      %dma_start3A_84 = tpu.memref_slice %arg7[%run_scoped3A_67, %dma_start3A] : memref<32x512xf32, #tpu.memory_space<vmem>> -> memref<1x512xf32, #tpu.memory_space<vmem>>
      %dma_start3A_85 = tpu.memref_squeeze %dma_start3A_84 : memref<1x512xf32, #tpu.memory_space<vmem>> -> memref<512xf32, #tpu.memory_space<vmem>>
      %dma_start3A_86 = arith.constant 0 : i32
      %dma_start3A_87 = tpu.memref_slice %arg4[%run_scoped3A_68, %dma_start3A_86] : memref<32x16384xf32, #tpu.memory_space<hbm>> -> memref<1x16384xf32, #tpu.memory_space<hbm>>
      %dma_start3A_88 = tpu.memref_squeeze %dma_start3A_87 : memref<1x16384xf32, #tpu.memory_space<hbm>> -> memref<16384xf32, #tpu.memory_space<hbm>>
      %dma_start3A_89 = tpu.memref_slice %dma_start3A_88[%mul3A_2] : memref<16384xf32, #tpu.memory_space<hbm>> -> memref<512xf32, #tpu.memory_space<hbm>>
      %dma_start3A_90 = arith.constant 0 : i32
      %dma_start3A_91 = tpu.memref_slice %arg4[%run_scoped3A_68, %dma_start3A_90] : memref<32x16384xf32, #tpu.memory_space<hbm>> -> memref<1x16384xf32, #tpu.memory_space<hbm>>
      %dma_start3A_92 = tpu.memref_squeeze %dma_start3A_91 : memref<1x16384xf32, #tpu.memory_space<hbm>> -> memref<16384xf32, #tpu.memory_space<hbm>>
      %dma_start3A_93 = tpu.memref_slice %dma_start3A_92[%mul3A_2] : memref<16384xf32, #tpu.memory_space<hbm>> -> memref<512xf32, #tpu.memory_space<hbm>>
      %dma_start3A_94 = arith.constant 0 : i32
      %dma_start3A_95 = tpu.memref_slice %arg7[%run_scoped3A_67, %dma_start3A_94] : memref<32x512xf32, #tpu.memory_space<vmem>> -> memref<1x512xf32, #tpu.memory_space<vmem>>
      %dma_start3A_96 = tpu.memref_squeeze %dma_start3A_95 : memref<1x512xf32, #tpu.memory_space<vmem>> -> memref<512xf32, #tpu.memory_space<vmem>>
      tpu.enqueue_dma source(%dma_start3A_96 : memref<512xf32, #tpu.memory_space<vmem>>) target(%dma_start3A_93 : memref<512xf32, #tpu.memory_space<hbm>>) target_semaphore(%run_scoped3A_83 : memref<!tpu.dma_semaphore, #tpu.memory_space<semaphore_mem>>)
      %dma_wait3A = arith.constant 0 : i32
      %dma_wait3A_97 = tpu.memref_slice %arg7[%run_scoped3A_67, %dma_wait3A] : memref<32x512xf32, #tpu.memory_space<vmem>> -> memref<1x512xf32, #tpu.memory_space<vmem>>
      %dma_wait3A_98 = tpu.memref_squeeze %dma_wait3A_97 : memref<1x512xf32, #tpu.memory_space<vmem>> -> memref<512xf32, #tpu.memory_space<vmem>>
      %dma_wait3A_99 = arith.constant 0 : i32
      %dma_wait3A_100 = tpu.memref_slice %arg4[%run_scoped3A_68, %dma_wait3A_99] : memref<32x16384xf32, #tpu.memory_space<hbm>> -> memref<1x16384xf32, #tpu.memory_space<hbm>>
      %dma_wait3A_101 = tpu.memref_squeeze %dma_wait3A_100 : memref<1x16384xf32, #tpu.memory_space<hbm>> -> memref<16384xf32, #tpu.memory_space<hbm>>
      %dma_wait3A_102 = tpu.memref_slice %dma_wait3A_101[%mul3A_2] : memref<16384xf32, #tpu.memory_space<hbm>> -> memref<512xf32, #tpu.memory_space<hbm>>
      %dma_wait3A_103 = arith.constant 0 : i32
      %dma_wait3A_104 = tpu.memref_slice %arg4[%run_scoped3A_68, %dma_wait3A_103] : memref<32x16384xf32, #tpu.memory_space<hbm>> -> memref<1x16384xf32, #tpu.memory_space<hbm>>
      %dma_wait3A_105 = tpu.memref_squeeze %dma_wait3A_104 : memref<1x16384xf32, #tpu.memory_space<hbm>> -> memref<16384xf32, #tpu.memory_space<hbm>>
      %dma_wait3A_106 = tpu.memref_slice %dma_wait3A_105[%mul3A_2] : memref<16384xf32, #tpu.memory_space<hbm>> -> memref<512xf32, #tpu.memory_space<hbm>>
      %dma_wait3A_107 = arith.constant 0 : i32
      %dma_wait3A_108 = tpu.memref_slice %arg7[%run_scoped3A_67, %dma_wait3A_107] : memref<32x512xf32, #tpu.memory_space<vmem>> -> memref<1x512xf32, #tpu.memory_space<vmem>>
      %dma_wait3A_109 = tpu.memref_squeeze %dma_wait3A_108 : memref<1x512xf32, #tpu.memory_space<vmem>> -> memref<512xf32, #tpu.memory_space<vmem>>
      tpu.wait_dma2 semaphore(%run_scoped3A_83 : memref<!tpu.dma_semaphore, #tpu.memory_space<semaphore_mem>>) src(%dma_wait3A_109 : memref<512xf32, #tpu.memory_space<vmem>>) dst(%dma_wait3A_106 : memref<512xf32, #tpu.memory_space<hbm>>)
      tpu.yield
    }) : () -> ()
    %run_scoped3A_69 = arith.constant 25 : i32
    %run_scoped3A_70 = arith.constant 25 : i32
    "tpu.region"() ({
      %run_scoped3A_83 = tpu.sem_alloc : memref<!tpu.dma_semaphore, #tpu.memory_space<semaphore_mem>>
      %dma_start3A = arith.constant 0 : i32
      %dma_start3A_84 = tpu.memref_slice %arg7[%run_scoped3A_69, %dma_start3A] : memref<32x512xf32, #tpu.memory_space<vmem>> -> memref<1x512xf32, #tpu.memory_space<vmem>>
      %dma_start3A_85 = tpu.memref_squeeze %dma_start3A_84 : memref<1x512xf32, #tpu.memory_space<vmem>> -> memref<512xf32, #tpu.memory_space<vmem>>
      %dma_start3A_86 = arith.constant 0 : i32
      %dma_start3A_87 = tpu.memref_slice %arg4[%run_scoped3A_70, %dma_start3A_86] : memref<32x16384xf32, #tpu.memory_space<hbm>> -> memref<1x16384xf32, #tpu.memory_space<hbm>>
      %dma_start3A_88 = tpu.memref_squeeze %dma_start3A_87 : memref<1x16384xf32, #tpu.memory_space<hbm>> -> memref<16384xf32, #tpu.memory_space<hbm>>
      %dma_start3A_89 = tpu.memref_slice %dma_start3A_88[%mul3A_2] : memref<16384xf32, #tpu.memory_space<hbm>> -> memref<512xf32, #tpu.memory_space<hbm>>
      %dma_start3A_90 = arith.constant 0 : i32
      %dma_start3A_91 = tpu.memref_slice %arg4[%run_scoped3A_70, %dma_start3A_90] : memref<32x16384xf32, #tpu.memory_space<hbm>> -> memref<1x16384xf32, #tpu.memory_space<hbm>>
      %dma_start3A_92 = tpu.memref_squeeze %dma_start3A_91 : memref<1x16384xf32, #tpu.memory_space<hbm>> -> memref<16384xf32, #tpu.memory_space<hbm>>
      %dma_start3A_93 = tpu.memref_slice %dma_start3A_92[%mul3A_2] : memref<16384xf32, #tpu.memory_space<hbm>> -> memref<512xf32, #tpu.memory_space<hbm>>
      %dma_start3A_94 = arith.constant 0 : i32
      %dma_start3A_95 = tpu.memref_slice %arg7[%run_scoped3A_69, %dma_start3A_94] : memref<32x512xf32, #tpu.memory_space<vmem>> -> memref<1x512xf32, #tpu.memory_space<vmem>>
      %dma_start3A_96 = tpu.memref_squeeze %dma_start3A_95 : memref<1x512xf32, #tpu.memory_space<vmem>> -> memref<512xf32, #tpu.memory_space<vmem>>
      tpu.enqueue_dma source(%dma_start3A_96 : memref<512xf32, #tpu.memory_space<vmem>>) target(%dma_start3A_93 : memref<512xf32, #tpu.memory_space<hbm>>) target_semaphore(%run_scoped3A_83 : memref<!tpu.dma_semaphore, #tpu.memory_space<semaphore_mem>>)
      %dma_wait3A = arith.constant 0 : i32
      %dma_wait3A_97 = tpu.memref_slice %arg7[%run_scoped3A_69, %dma_wait3A] : memref<32x512xf32, #tpu.memory_space<vmem>> -> memref<1x512xf32, #tpu.memory_space<vmem>>
      %dma_wait3A_98 = tpu.memref_squeeze %dma_wait3A_97 : memref<1x512xf32, #tpu.memory_space<vmem>> -> memref<512xf32, #tpu.memory_space<vmem>>
      %dma_wait3A_99 = arith.constant 0 : i32
      %dma_wait3A_100 = tpu.memref_slice %arg4[%run_scoped3A_70, %dma_wait3A_99] : memref<32x16384xf32, #tpu.memory_space<hbm>> -> memref<1x16384xf32, #tpu.memory_space<hbm>>
      %dma_wait3A_101 = tpu.memref_squeeze %dma_wait3A_100 : memref<1x16384xf32, #tpu.memory_space<hbm>> -> memref<16384xf32, #tpu.memory_space<hbm>>
      %dma_wait3A_102 = tpu.memref_slice %dma_wait3A_101[%mul3A_2] : memref<16384xf32, #tpu.memory_space<hbm>> -> memref<512xf32, #tpu.memory_space<hbm>>
      %dma_wait3A_103 = arith.constant 0 : i32
      %dma_wait3A_104 = tpu.memref_slice %arg4[%run_scoped3A_70, %dma_wait3A_103] : memref<32x16384xf32, #tpu.memory_space<hbm>> -> memref<1x16384xf32, #tpu.memory_space<hbm>>
      %dma_wait3A_105 = tpu.memref_squeeze %dma_wait3A_104 : memref<1x16384xf32, #tpu.memory_space<hbm>> -> memref<16384xf32, #tpu.memory_space<hbm>>
      %dma_wait3A_106 = tpu.memref_slice %dma_wait3A_105[%mul3A_2] : memref<16384xf32, #tpu.memory_space<hbm>> -> memref<512xf32, #tpu.memory_space<hbm>>
      %dma_wait3A_107 = arith.constant 0 : i32
      %dma_wait3A_108 = tpu.memref_slice %arg7[%run_scoped3A_69, %dma_wait3A_107] : memref<32x512xf32, #tpu.memory_space<vmem>> -> memref<1x512xf32, #tpu.memory_space<vmem>>
      %dma_wait3A_109 = tpu.memref_squeeze %dma_wait3A_108 : memref<1x512xf32, #tpu.memory_space<vmem>> -> memref<512xf32, #tpu.memory_space<vmem>>
      tpu.wait_dma2 semaphore(%run_scoped3A_83 : memref<!tpu.dma_semaphore, #tpu.memory_space<semaphore_mem>>) src(%dma_wait3A_109 : memref<512xf32, #tpu.memory_space<vmem>>) dst(%dma_wait3A_106 : memref<512xf32, #tpu.memory_space<hbm>>)
      tpu.yield
    }) : () -> ()
    %run_scoped3A_71 = arith.constant 26 : i32
    %run_scoped3A_72 = arith.constant 26 : i32
    "tpu.region"() ({
      %run_scoped3A_83 = tpu.sem_alloc : memref<!tpu.dma_semaphore, #tpu.memory_space<semaphore_mem>>
      %dma_start3A = arith.constant 0 : i32
      %dma_start3A_84 = tpu.memref_slice %arg7[%run_scoped3A_71, %dma_start3A] : memref<32x512xf32, #tpu.memory_space<vmem>> -> memref<1x512xf32, #tpu.memory_space<vmem>>
      %dma_start3A_85 = tpu.memref_squeeze %dma_start3A_84 : memref<1x512xf32, #tpu.memory_space<vmem>> -> memref<512xf32, #tpu.memory_space<vmem>>
      %dma_start3A_86 = arith.constant 0 : i32
      %dma_start3A_87 = tpu.memref_slice %arg4[%run_scoped3A_72, %dma_start3A_86] : memref<32x16384xf32, #tpu.memory_space<hbm>> -> memref<1x16384xf32, #tpu.memory_space<hbm>>
      %dma_start3A_88 = tpu.memref_squeeze %dma_start3A_87 : memref<1x16384xf32, #tpu.memory_space<hbm>> -> memref<16384xf32, #tpu.memory_space<hbm>>
      %dma_start3A_89 = tpu.memref_slice %dma_start3A_88[%mul3A_2] : memref<16384xf32, #tpu.memory_space<hbm>> -> memref<512xf32, #tpu.memory_space<hbm>>
      %dma_start3A_90 = arith.constant 0 : i32
      %dma_start3A_91 = tpu.memref_slice %arg4[%run_scoped3A_72, %dma_start3A_90] : memref<32x16384xf32, #tpu.memory_space<hbm>> -> memref<1x16384xf32, #tpu.memory_space<hbm>>
      %dma_start3A_92 = tpu.memref_squeeze %dma_start3A_91 : memref<1x16384xf32, #tpu.memory_space<hbm>> -> memref<16384xf32, #tpu.memory_space<hbm>>
      %dma_start3A_93 = tpu.memref_slice %dma_start3A_92[%mul3A_2] : memref<16384xf32, #tpu.memory_space<hbm>> -> memref<512xf32, #tpu.memory_space<hbm>>
      %dma_start3A_94 = arith.constant 0 : i32
      %dma_start3A_95 = tpu.memref_slice %arg7[%run_scoped3A_71, %dma_start3A_94] : memref<32x512xf32, #tpu.memory_space<vmem>> -> memref<1x512xf32, #tpu.memory_space<vmem>>
      %dma_start3A_96 = tpu.memref_squeeze %dma_start3A_95 : memref<1x512xf32, #tpu.memory_space<vmem>> -> memref<512xf32, #tpu.memory_space<vmem>>
      tpu.enqueue_dma source(%dma_start3A_96 : memref<512xf32, #tpu.memory_space<vmem>>) target(%dma_start3A_93 : memref<512xf32, #tpu.memory_space<hbm>>) target_semaphore(%run_scoped3A_83 : memref<!tpu.dma_semaphore, #tpu.memory_space<semaphore_mem>>)
      %dma_wait3A = arith.constant 0 : i32
      %dma_wait3A_97 = tpu.memref_slice %arg7[%run_scoped3A_71, %dma_wait3A] : memref<32x512xf32, #tpu.memory_space<vmem>> -> memref<1x512xf32, #tpu.memory_space<vmem>>
      %dma_wait3A_98 = tpu.memref_squeeze %dma_wait3A_97 : memref<1x512xf32, #tpu.memory_space<vmem>> -> memref<512xf32, #tpu.memory_space<vmem>>
      %dma_wait3A_99 = arith.constant 0 : i32
      %dma_wait3A_100 = tpu.memref_slice %arg4[%run_scoped3A_72, %dma_wait3A_99] : memref<32x16384xf32, #tpu.memory_space<hbm>> -> memref<1x16384xf32, #tpu.memory_space<hbm>>
      %dma_wait3A_101 = tpu.memref_squeeze %dma_wait3A_100 : memref<1x16384xf32, #tpu.memory_space<hbm>> -> memref<16384xf32, #tpu.memory_space<hbm>>
      %dma_wait3A_102 = tpu.memref_slice %dma_wait3A_101[%mul3A_2] : memref<16384xf32, #tpu.memory_space<hbm>> -> memref<512xf32, #tpu.memory_space<hbm>>
      %dma_wait3A_103 = arith.constant 0 : i32
      %dma_wait3A_104 = tpu.memref_slice %arg4[%run_scoped3A_72, %dma_wait3A_103] : memref<32x16384xf32, #tpu.memory_space<hbm>> -> memref<1x16384xf32, #tpu.memory_space<hbm>>
      %dma_wait3A_105 = tpu.memref_squeeze %dma_wait3A_104 : memref<1x16384xf32, #tpu.memory_space<hbm>> -> memref<16384xf32, #tpu.memory_space<hbm>>
      %dma_wait3A_106 = tpu.memref_slice %dma_wait3A_105[%mul3A_2] : memref<16384xf32, #tpu.memory_space<hbm>> -> memref<512xf32, #tpu.memory_space<hbm>>
      %dma_wait3A_107 = arith.constant 0 : i32
      %dma_wait3A_108 = tpu.memref_slice %arg7[%run_scoped3A_71, %dma_wait3A_107] : memref<32x512xf32, #tpu.memory_space<vmem>> -> memref<1x512xf32, #tpu.memory_space<vmem>>
      %dma_wait3A_109 = tpu.memref_squeeze %dma_wait3A_108 : memref<1x512xf32, #tpu.memory_space<vmem>> -> memref<512xf32, #tpu.memory_space<vmem>>
      tpu.wait_dma2 semaphore(%run_scoped3A_83 : memref<!tpu.dma_semaphore, #tpu.memory_space<semaphore_mem>>) src(%dma_wait3A_109 : memref<512xf32, #tpu.memory_space<vmem>>) dst(%dma_wait3A_106 : memref<512xf32, #tpu.memory_space<hbm>>)
      tpu.yield
    }) : () -> ()
    %run_scoped3A_73 = arith.constant 27 : i32
    %run_scoped3A_74 = arith.constant 27 : i32
    "tpu.region"() ({
      %run_scoped3A_83 = tpu.sem_alloc : memref<!tpu.dma_semaphore, #tpu.memory_space<semaphore_mem>>
      %dma_start3A = arith.constant 0 : i32
      %dma_start3A_84 = tpu.memref_slice %arg7[%run_scoped3A_73, %dma_start3A] : memref<32x512xf32, #tpu.memory_space<vmem>> -> memref<1x512xf32, #tpu.memory_space<vmem>>
      %dma_start3A_85 = tpu.memref_squeeze %dma_start3A_84 : memref<1x512xf32, #tpu.memory_space<vmem>> -> memref<512xf32, #tpu.memory_space<vmem>>
      %dma_start3A_86 = arith.constant 0 : i32
      %dma_start3A_87 = tpu.memref_slice %arg4[%run_scoped3A_74, %dma_start3A_86] : memref<32x16384xf32, #tpu.memory_space<hbm>> -> memref<1x16384xf32, #tpu.memory_space<hbm>>
      %dma_start3A_88 = tpu.memref_squeeze %dma_start3A_87 : memref<1x16384xf32, #tpu.memory_space<hbm>> -> memref<16384xf32, #tpu.memory_space<hbm>>
      %dma_start3A_89 = tpu.memref_slice %dma_start3A_88[%mul3A_2] : memref<16384xf32, #tpu.memory_space<hbm>> -> memref<512xf32, #tpu.memory_space<hbm>>
      %dma_start3A_90 = arith.constant 0 : i32
      %dma_start3A_91 = tpu.memref_slice %arg4[%run_scoped3A_74, %dma_start3A_90] : memref<32x16384xf32, #tpu.memory_space<hbm>> -> memref<1x16384xf32, #tpu.memory_space<hbm>>
      %dma_start3A_92 = tpu.memref_squeeze %dma_start3A_91 : memref<1x16384xf32, #tpu.memory_space<hbm>> -> memref<16384xf32, #tpu.memory_space<hbm>>
      %dma_start3A_93 = tpu.memref_slice %dma_start3A_92[%mul3A_2] : memref<16384xf32, #tpu.memory_space<hbm>> -> memref<512xf32, #tpu.memory_space<hbm>>
      %dma_start3A_94 = arith.constant 0 : i32
      %dma_start3A_95 = tpu.memref_slice %arg7[%run_scoped3A_73, %dma_start3A_94] : memref<32x512xf32, #tpu.memory_space<vmem>> -> memref<1x512xf32, #tpu.memory_space<vmem>>
      %dma_start3A_96 = tpu.memref_squeeze %dma_start3A_95 : memref<1x512xf32, #tpu.memory_space<vmem>> -> memref<512xf32, #tpu.memory_space<vmem>>
      tpu.enqueue_dma source(%dma_start3A_96 : memref<512xf32, #tpu.memory_space<vmem>>) target(%dma_start3A_93 : memref<512xf32, #tpu.memory_space<hbm>>) target_semaphore(%run_scoped3A_83 : memref<!tpu.dma_semaphore, #tpu.memory_space<semaphore_mem>>)
      %dma_wait3A = arith.constant 0 : i32
      %dma_wait3A_97 = tpu.memref_slice %arg7[%run_scoped3A_73, %dma_wait3A] : memref<32x512xf32, #tpu.memory_space<vmem>> -> memref<1x512xf32, #tpu.memory_space<vmem>>
      %dma_wait3A_98 = tpu.memref_squeeze %dma_wait3A_97 : memref<1x512xf32, #tpu.memory_space<vmem>> -> memref<512xf32, #tpu.memory_space<vmem>>
      %dma_wait3A_99 = arith.constant 0 : i32
      %dma_wait3A_100 = tpu.memref_slice %arg4[%run_scoped3A_74, %dma_wait3A_99] : memref<32x16384xf32, #tpu.memory_space<hbm>> -> memref<1x16384xf32, #tpu.memory_space<hbm>>
      %dma_wait3A_101 = tpu.memref_squeeze %dma_wait3A_100 : memref<1x16384xf32, #tpu.memory_space<hbm>> -> memref<16384xf32, #tpu.memory_space<hbm>>
      %dma_wait3A_102 = tpu.memref_slice %dma_wait3A_101[%mul3A_2] : memref<16384xf32, #tpu.memory_space<hbm>> -> memref<512xf32, #tpu.memory_space<hbm>>
      %dma_wait3A_103 = arith.constant 0 : i32
      %dma_wait3A_104 = tpu.memref_slice %arg4[%run_scoped3A_74, %dma_wait3A_103] : memref<32x16384xf32, #tpu.memory_space<hbm>> -> memref<1x16384xf32, #tpu.memory_space<hbm>>
      %dma_wait3A_105 = tpu.memref_squeeze %dma_wait3A_104 : memref<1x16384xf32, #tpu.memory_space<hbm>> -> memref<16384xf32, #tpu.memory_space<hbm>>
      %dma_wait3A_106 = tpu.memref_slice %dma_wait3A_105[%mul3A_2] : memref<16384xf32, #tpu.memory_space<hbm>> -> memref<512xf32, #tpu.memory_space<hbm>>
      %dma_wait3A_107 = arith.constant 0 : i32
      %dma_wait3A_108 = tpu.memref_slice %arg7[%run_scoped3A_73, %dma_wait3A_107] : memref<32x512xf32, #tpu.memory_space<vmem>> -> memref<1x512xf32, #tpu.memory_space<vmem>>
      %dma_wait3A_109 = tpu.memref_squeeze %dma_wait3A_108 : memref<1x512xf32, #tpu.memory_space<vmem>> -> memref<512xf32, #tpu.memory_space<vmem>>
      tpu.wait_dma2 semaphore(%run_scoped3A_83 : memref<!tpu.dma_semaphore, #tpu.memory_space<semaphore_mem>>) src(%dma_wait3A_109 : memref<512xf32, #tpu.memory_space<vmem>>) dst(%dma_wait3A_106 : memref<512xf32, #tpu.memory_space<hbm>>)
      tpu.yield
    }) : () -> ()
    %run_scoped3A_75 = arith.constant 28 : i32
    %run_scoped3A_76 = arith.constant 28 : i32
    "tpu.region"() ({
      %run_scoped3A_83 = tpu.sem_alloc : memref<!tpu.dma_semaphore, #tpu.memory_space<semaphore_mem>>
      %dma_start3A = arith.constant 0 : i32
      %dma_start3A_84 = tpu.memref_slice %arg7[%run_scoped3A_75, %dma_start3A] : memref<32x512xf32, #tpu.memory_space<vmem>> -> memref<1x512xf32, #tpu.memory_space<vmem>>
      %dma_start3A_85 = tpu.memref_squeeze %dma_start3A_84 : memref<1x512xf32, #tpu.memory_space<vmem>> -> memref<512xf32, #tpu.memory_space<vmem>>
      %dma_start3A_86 = arith.constant 0 : i32
      %dma_start3A_87 = tpu.memref_slice %arg4[%run_scoped3A_76, %dma_start3A_86] : memref<32x16384xf32, #tpu.memory_space<hbm>> -> memref<1x16384xf32, #tpu.memory_space<hbm>>
      %dma_start3A_88 = tpu.memref_squeeze %dma_start3A_87 : memref<1x16384xf32, #tpu.memory_space<hbm>> -> memref<16384xf32, #tpu.memory_space<hbm>>
      %dma_start3A_89 = tpu.memref_slice %dma_start3A_88[%mul3A_2] : memref<16384xf32, #tpu.memory_space<hbm>> -> memref<512xf32, #tpu.memory_space<hbm>>
      %dma_start3A_90 = arith.constant 0 : i32
      %dma_start3A_91 = tpu.memref_slice %arg4[%run_scoped3A_76, %dma_start3A_90] : memref<32x16384xf32, #tpu.memory_space<hbm>> -> memref<1x16384xf32, #tpu.memory_space<hbm>>
      %dma_start3A_92 = tpu.memref_squeeze %dma_start3A_91 : memref<1x16384xf32, #tpu.memory_space<hbm>> -> memref<16384xf32, #tpu.memory_space<hbm>>
      %dma_start3A_93 = tpu.memref_slice %dma_start3A_92[%mul3A_2] : memref<16384xf32, #tpu.memory_space<hbm>> -> memref<512xf32, #tpu.memory_space<hbm>>
      %dma_start3A_94 = arith.constant 0 : i32
      %dma_start3A_95 = tpu.memref_slice %arg7[%run_scoped3A_75, %dma_start3A_94] : memref<32x512xf32, #tpu.memory_space<vmem>> -> memref<1x512xf32, #tpu.memory_space<vmem>>
      %dma_start3A_96 = tpu.memref_squeeze %dma_start3A_95 : memref<1x512xf32, #tpu.memory_space<vmem>> -> memref<512xf32, #tpu.memory_space<vmem>>
      tpu.enqueue_dma source(%dma_start3A_96 : memref<512xf32, #tpu.memory_space<vmem>>) target(%dma_start3A_93 : memref<512xf32, #tpu.memory_space<hbm>>) target_semaphore(%run_scoped3A_83 : memref<!tpu.dma_semaphore, #tpu.memory_space<semaphore_mem>>)
      %dma_wait3A = arith.constant 0 : i32
      %dma_wait3A_97 = tpu.memref_slice %arg7[%run_scoped3A_75, %dma_wait3A] : memref<32x512xf32, #tpu.memory_space<vmem>> -> memref<1x512xf32, #tpu.memory_space<vmem>>
      %dma_wait3A_98 = tpu.memref_squeeze %dma_wait3A_97 : memref<1x512xf32, #tpu.memory_space<vmem>> -> memref<512xf32, #tpu.memory_space<vmem>>
      %dma_wait3A_99 = arith.constant 0 : i32
      %dma_wait3A_100 = tpu.memref_slice %arg4[%run_scoped3A_76, %dma_wait3A_99] : memref<32x16384xf32, #tpu.memory_space<hbm>> -> memref<1x16384xf32, #tpu.memory_space<hbm>>
      %dma_wait3A_101 = tpu.memref_squeeze %dma_wait3A_100 : memref<1x16384xf32, #tpu.memory_space<hbm>> -> memref<16384xf32, #tpu.memory_space<hbm>>
      %dma_wait3A_102 = tpu.memref_slice %dma_wait3A_101[%mul3A_2] : memref<16384xf32, #tpu.memory_space<hbm>> -> memref<512xf32, #tpu.memory_space<hbm>>
      %dma_wait3A_103 = arith.constant 0 : i32
      %dma_wait3A_104 = tpu.memref_slice %arg4[%run_scoped3A_76, %dma_wait3A_103] : memref<32x16384xf32, #tpu.memory_space<hbm>> -> memref<1x16384xf32, #tpu.memory_space<hbm>>
      %dma_wait3A_105 = tpu.memref_squeeze %dma_wait3A_104 : memref<1x16384xf32, #tpu.memory_space<hbm>> -> memref<16384xf32, #tpu.memory_space<hbm>>
      %dma_wait3A_106 = tpu.memref_slice %dma_wait3A_105[%mul3A_2] : memref<16384xf32, #tpu.memory_space<hbm>> -> memref<512xf32, #tpu.memory_space<hbm>>
      %dma_wait3A_107 = arith.constant 0 : i32
      %dma_wait3A_108 = tpu.memref_slice %arg7[%run_scoped3A_75, %dma_wait3A_107] : memref<32x512xf32, #tpu.memory_space<vmem>> -> memref<1x512xf32, #tpu.memory_space<vmem>>
      %dma_wait3A_109 = tpu.memref_squeeze %dma_wait3A_108 : memref<1x512xf32, #tpu.memory_space<vmem>> -> memref<512xf32, #tpu.memory_space<vmem>>
      tpu.wait_dma2 semaphore(%run_scoped3A_83 : memref<!tpu.dma_semaphore, #tpu.memory_space<semaphore_mem>>) src(%dma_wait3A_109 : memref<512xf32, #tpu.memory_space<vmem>>) dst(%dma_wait3A_106 : memref<512xf32, #tpu.memory_space<hbm>>)
      tpu.yield
    }) : () -> ()
    %run_scoped3A_77 = arith.constant 29 : i32
    %run_scoped3A_78 = arith.constant 29 : i32
    "tpu.region"() ({
      %run_scoped3A_83 = tpu.sem_alloc : memref<!tpu.dma_semaphore, #tpu.memory_space<semaphore_mem>>
      %dma_start3A = arith.constant 0 : i32
      %dma_start3A_84 = tpu.memref_slice %arg7[%run_scoped3A_77, %dma_start3A] : memref<32x512xf32, #tpu.memory_space<vmem>> -> memref<1x512xf32, #tpu.memory_space<vmem>>
      %dma_start3A_85 = tpu.memref_squeeze %dma_start3A_84 : memref<1x512xf32, #tpu.memory_space<vmem>> -> memref<512xf32, #tpu.memory_space<vmem>>
      %dma_start3A_86 = arith.constant 0 : i32
      %dma_start3A_87 = tpu.memref_slice %arg4[%run_scoped3A_78, %dma_start3A_86] : memref<32x16384xf32, #tpu.memory_space<hbm>> -> memref<1x16384xf32, #tpu.memory_space<hbm>>
      %dma_start3A_88 = tpu.memref_squeeze %dma_start3A_87 : memref<1x16384xf32, #tpu.memory_space<hbm>> -> memref<16384xf32, #tpu.memory_space<hbm>>
      %dma_start3A_89 = tpu.memref_slice %dma_start3A_88[%mul3A_2] : memref<16384xf32, #tpu.memory_space<hbm>> -> memref<512xf32, #tpu.memory_space<hbm>>
      %dma_start3A_90 = arith.constant 0 : i32
      %dma_start3A_91 = tpu.memref_slice %arg4[%run_scoped3A_78, %dma_start3A_90] : memref<32x16384xf32, #tpu.memory_space<hbm>> -> memref<1x16384xf32, #tpu.memory_space<hbm>>
      %dma_start3A_92 = tpu.memref_squeeze %dma_start3A_91 : memref<1x16384xf32, #tpu.memory_space<hbm>> -> memref<16384xf32, #tpu.memory_space<hbm>>
      %dma_start3A_93 = tpu.memref_slice %dma_start3A_92[%mul3A_2] : memref<16384xf32, #tpu.memory_space<hbm>> -> memref<512xf32, #tpu.memory_space<hbm>>
      %dma_start3A_94 = arith.constant 0 : i32
      %dma_start3A_95 = tpu.memref_slice %arg7[%run_scoped3A_77, %dma_start3A_94] : memref<32x512xf32, #tpu.memory_space<vmem>> -> memref<1x512xf32, #tpu.memory_space<vmem>>
      %dma_start3A_96 = tpu.memref_squeeze %dma_start3A_95 : memref<1x512xf32, #tpu.memory_space<vmem>> -> memref<512xf32, #tpu.memory_space<vmem>>
      tpu.enqueue_dma source(%dma_start3A_96 : memref<512xf32, #tpu.memory_space<vmem>>) target(%dma_start3A_93 : memref<512xf32, #tpu.memory_space<hbm>>) target_semaphore(%run_scoped3A_83 : memref<!tpu.dma_semaphore, #tpu.memory_space<semaphore_mem>>)
      %dma_wait3A = arith.constant 0 : i32
      %dma_wait3A_97 = tpu.memref_slice %arg7[%run_scoped3A_77, %dma_wait3A] : memref<32x512xf32, #tpu.memory_space<vmem>> -> memref<1x512xf32, #tpu.memory_space<vmem>>
      %dma_wait3A_98 = tpu.memref_squeeze %dma_wait3A_97 : memref<1x512xf32, #tpu.memory_space<vmem>> -> memref<512xf32, #tpu.memory_space<vmem>>
      %dma_wait3A_99 = arith.constant 0 : i32
      %dma_wait3A_100 = tpu.memref_slice %arg4[%run_scoped3A_78, %dma_wait3A_99] : memref<32x16384xf32, #tpu.memory_space<hbm>> -> memref<1x16384xf32, #tpu.memory_space<hbm>>
      %dma_wait3A_101 = tpu.memref_squeeze %dma_wait3A_100 : memref<1x16384xf32, #tpu.memory_space<hbm>> -> memref<16384xf32, #tpu.memory_space<hbm>>
      %dma_wait3A_102 = tpu.memref_slice %dma_wait3A_101[%mul3A_2] : memref<16384xf32, #tpu.memory_space<hbm>> -> memref<512xf32, #tpu.memory_space<hbm>>
      %dma_wait3A_103 = arith.constant 0 : i32
      %dma_wait3A_104 = tpu.memref_slice %arg4[%run_scoped3A_78, %dma_wait3A_103] : memref<32x16384xf32, #tpu.memory_space<hbm>> -> memref<1x16384xf32, #tpu.memory_space<hbm>>
      %dma_wait3A_105 = tpu.memref_squeeze %dma_wait3A_104 : memref<1x16384xf32, #tpu.memory_space<hbm>> -> memref<16384xf32, #tpu.memory_space<hbm>>
      %dma_wait3A_106 = tpu.memref_slice %dma_wait3A_105[%mul3A_2] : memref<16384xf32, #tpu.memory_space<hbm>> -> memref<512xf32, #tpu.memory_space<hbm>>
      %dma_wait3A_107 = arith.constant 0 : i32
      %dma_wait3A_108 = tpu.memref_slice %arg7[%run_scoped3A_77, %dma_wait3A_107] : memref<32x512xf32, #tpu.memory_space<vmem>> -> memref<1x512xf32, #tpu.memory_space<vmem>>
      %dma_wait3A_109 = tpu.memref_squeeze %dma_wait3A_108 : memref<1x512xf32, #tpu.memory_space<vmem>> -> memref<512xf32, #tpu.memory_space<vmem>>
      tpu.wait_dma2 semaphore(%run_scoped3A_83 : memref<!tpu.dma_semaphore, #tpu.memory_space<semaphore_mem>>) src(%dma_wait3A_109 : memref<512xf32, #tpu.memory_space<vmem>>) dst(%dma_wait3A_106 : memref<512xf32, #tpu.memory_space<hbm>>)
      tpu.yield
    }) : () -> ()
    %run_scoped3A_79 = arith.constant 30 : i32
    %run_scoped3A_80 = arith.constant 30 : i32
    "tpu.region"() ({
      %run_scoped3A_83 = tpu.sem_alloc : memref<!tpu.dma_semaphore, #tpu.memory_space<semaphore_mem>>
      %dma_start3A = arith.constant 0 : i32
      %dma_start3A_84 = tpu.memref_slice %arg7[%run_scoped3A_79, %dma_start3A] : memref<32x512xf32, #tpu.memory_space<vmem>> -> memref<1x512xf32, #tpu.memory_space<vmem>>
      %dma_start3A_85 = tpu.memref_squeeze %dma_start3A_84 : memref<1x512xf32, #tpu.memory_space<vmem>> -> memref<512xf32, #tpu.memory_space<vmem>>
      %dma_start3A_86 = arith.constant 0 : i32
      %dma_start3A_87 = tpu.memref_slice %arg4[%run_scoped3A_80, %dma_start3A_86] : memref<32x16384xf32, #tpu.memory_space<hbm>> -> memref<1x16384xf32, #tpu.memory_space<hbm>>
      %dma_start3A_88 = tpu.memref_squeeze %dma_start3A_87 : memref<1x16384xf32, #tpu.memory_space<hbm>> -> memref<16384xf32, #tpu.memory_space<hbm>>
      %dma_start3A_89 = tpu.memref_slice %dma_start3A_88[%mul3A_2] : memref<16384xf32, #tpu.memory_space<hbm>> -> memref<512xf32, #tpu.memory_space<hbm>>
      %dma_start3A_90 = arith.constant 0 : i32
      %dma_start3A_91 = tpu.memref_slice %arg4[%run_scoped3A_80, %dma_start3A_90] : memref<32x16384xf32, #tpu.memory_space<hbm>> -> memref<1x16384xf32, #tpu.memory_space<hbm>>
      %dma_start3A_92 = tpu.memref_squeeze %dma_start3A_91 : memref<1x16384xf32, #tpu.memory_space<hbm>> -> memref<16384xf32, #tpu.memory_space<hbm>>
      %dma_start3A_93 = tpu.memref_slice %dma_start3A_92[%mul3A_2] : memref<16384xf32, #tpu.memory_space<hbm>> -> memref<512xf32, #tpu.memory_space<hbm>>
      %dma_start3A_94 = arith.constant 0 : i32
      %dma_start3A_95 = tpu.memref_slice %arg7[%run_scoped3A_79, %dma_start3A_94] : memref<32x512xf32, #tpu.memory_space<vmem>> -> memref<1x512xf32, #tpu.memory_space<vmem>>
      %dma_start3A_96 = tpu.memref_squeeze %dma_start3A_95 : memref<1x512xf32, #tpu.memory_space<vmem>> -> memref<512xf32, #tpu.memory_space<vmem>>
      tpu.enqueue_dma source(%dma_start3A_96 : memref<512xf32, #tpu.memory_space<vmem>>) target(%dma_start3A_93 : memref<512xf32, #tpu.memory_space<hbm>>) target_semaphore(%run_scoped3A_83 : memref<!tpu.dma_semaphore, #tpu.memory_space<semaphore_mem>>)
      %dma_wait3A = arith.constant 0 : i32
      %dma_wait3A_97 = tpu.memref_slice %arg7[%run_scoped3A_79, %dma_wait3A] : memref<32x512xf32, #tpu.memory_space<vmem>> -> memref<1x512xf32, #tpu.memory_space<vmem>>
      %dma_wait3A_98 = tpu.memref_squeeze %dma_wait3A_97 : memref<1x512xf32, #tpu.memory_space<vmem>> -> memref<512xf32, #tpu.memory_space<vmem>>
      %dma_wait3A_99 = arith.constant 0 : i32
      %dma_wait3A_100 = tpu.memref_slice %arg4[%run_scoped3A_80, %dma_wait3A_99] : memref<32x16384xf32, #tpu.memory_space<hbm>> -> memref<1x16384xf32, #tpu.memory_space<hbm>>
      %dma_wait3A_101 = tpu.memref_squeeze %dma_wait3A_100 : memref<1x16384xf32, #tpu.memory_space<hbm>> -> memref<16384xf32, #tpu.memory_space<hbm>>
      %dma_wait3A_102 = tpu.memref_slice %dma_wait3A_101[%mul3A_2] : memref<16384xf32, #tpu.memory_space<hbm>> -> memref<512xf32, #tpu.memory_space<hbm>>
      %dma_wait3A_103 = arith.constant 0 : i32
      %dma_wait3A_104 = tpu.memref_slice %arg4[%run_scoped3A_80, %dma_wait3A_103] : memref<32x16384xf32, #tpu.memory_space<hbm>> -> memref<1x16384xf32, #tpu.memory_space<hbm>>
      %dma_wait3A_105 = tpu.memref_squeeze %dma_wait3A_104 : memref<1x16384xf32, #tpu.memory_space<hbm>> -> memref<16384xf32, #tpu.memory_space<hbm>>
      %dma_wait3A_106 = tpu.memref_slice %dma_wait3A_105[%mul3A_2] : memref<16384xf32, #tpu.memory_space<hbm>> -> memref<512xf32, #tpu.memory_space<hbm>>
      %dma_wait3A_107 = arith.constant 0 : i32
      %dma_wait3A_108 = tpu.memref_slice %arg7[%run_scoped3A_79, %dma_wait3A_107] : memref<32x512xf32, #tpu.memory_space<vmem>> -> memref<1x512xf32, #tpu.memory_space<vmem>>
      %dma_wait3A_109 = tpu.memref_squeeze %dma_wait3A_108 : memref<1x512xf32, #tpu.memory_space<vmem>> -> memref<512xf32, #tpu.memory_space<vmem>>
      tpu.wait_dma2 semaphore(%run_scoped3A_83 : memref<!tpu.dma_semaphore, #tpu.memory_space<semaphore_mem>>) src(%dma_wait3A_109 : memref<512xf32, #tpu.memory_space<vmem>>) dst(%dma_wait3A_106 : memref<512xf32, #tpu.memory_space<hbm>>)
      tpu.yield
    }) : () -> ()
    %run_scoped3A_81 = arith.constant 31 : i32
    %run_scoped3A_82 = arith.constant 31 : i32
    "tpu.region"() ({
      %run_scoped3A_83 = tpu.sem_alloc : memref<!tpu.dma_semaphore, #tpu.memory_space<semaphore_mem>>
      %dma_start3A = arith.constant 0 : i32
      %dma_start3A_84 = tpu.memref_slice %arg7[%run_scoped3A_81, %dma_start3A] : memref<32x512xf32, #tpu.memory_space<vmem>> -> memref<1x512xf32, #tpu.memory_space<vmem>>
      %dma_start3A_85 = tpu.memref_squeeze %dma_start3A_84 : memref<1x512xf32, #tpu.memory_space<vmem>> -> memref<512xf32, #tpu.memory_space<vmem>>
      %dma_start3A_86 = arith.constant 0 : i32
      %dma_start3A_87 = tpu.memref_slice %arg4[%run_scoped3A_82, %dma_start3A_86] : memref<32x16384xf32, #tpu.memory_space<hbm>> -> memref<1x16384xf32, #tpu.memory_space<hbm>>
      %dma_start3A_88 = tpu.memref_squeeze %dma_start3A_87 : memref<1x16384xf32, #tpu.memory_space<hbm>> -> memref<16384xf32, #tpu.memory_space<hbm>>
      %dma_start3A_89 = tpu.memref_slice %dma_start3A_88[%mul3A_2] : memref<16384xf32, #tpu.memory_space<hbm>> -> memref<512xf32, #tpu.memory_space<hbm>>
      %dma_start3A_90 = arith.constant 0 : i32
      %dma_start3A_91 = tpu.memref_slice %arg4[%run_scoped3A_82, %dma_start3A_90] : memref<32x16384xf32, #tpu.memory_space<hbm>> -> memref<1x16384xf32, #tpu.memory_space<hbm>>
      %dma_start3A_92 = tpu.memref_squeeze %dma_start3A_91 : memref<1x16384xf32, #tpu.memory_space<hbm>> -> memref<16384xf32, #tpu.memory_space<hbm>>
      %dma_start3A_93 = tpu.memref_slice %dma_start3A_92[%mul3A_2] : memref<16384xf32, #tpu.memory_space<hbm>> -> memref<512xf32, #tpu.memory_space<hbm>>
      %dma_start3A_94 = arith.constant 0 : i32
      %dma_start3A_95 = tpu.memref_slice %arg7[%run_scoped3A_81, %dma_start3A_94] : memref<32x512xf32, #tpu.memory_space<vmem>> -> memref<1x512xf32, #tpu.memory_space<vmem>>
      %dma_start3A_96 = tpu.memref_squeeze %dma_start3A_95 : memref<1x512xf32, #tpu.memory_space<vmem>> -> memref<512xf32, #tpu.memory_space<vmem>>
      tpu.enqueue_dma source(%dma_start3A_96 : memref<512xf32, #tpu.memory_space<vmem>>) target(%dma_start3A_93 : memref<512xf32, #tpu.memory_space<hbm>>) target_semaphore(%run_scoped3A_83 : memref<!tpu.dma_semaphore, #tpu.memory_space<semaphore_mem>>)
      %dma_wait3A = arith.constant 0 : i32
      %dma_wait3A_97 = tpu.memref_slice %arg7[%run_scoped3A_81, %dma_wait3A] : memref<32x512xf32, #tpu.memory_space<vmem>> -> memref<1x512xf32, #tpu.memory_space<vmem>>
      %dma_wait3A_98 = tpu.memref_squeeze %dma_wait3A_97 : memref<1x512xf32, #tpu.memory_space<vmem>> -> memref<512xf32, #tpu.memory_space<vmem>>
      %dma_wait3A_99 = arith.constant 0 : i32
      %dma_wait3A_100 = tpu.memref_slice %arg4[%run_scoped3A_82, %dma_wait3A_99] : memref<32x16384xf32, #tpu.memory_space<hbm>> -> memref<1x16384xf32, #tpu.memory_space<hbm>>
      %dma_wait3A_101 = tpu.memref_squeeze %dma_wait3A_100 : memref<1x16384xf32, #tpu.memory_space<hbm>> -> memref<16384xf32, #tpu.memory_space<hbm>>
      %dma_wait3A_102 = tpu.memref_slice %dma_wait3A_101[%mul3A_2] : memref<16384xf32, #tpu.memory_space<hbm>> -> memref<512xf32, #tpu.memory_space<hbm>>
      %dma_wait3A_103 = arith.constant 0 : i32
      %dma_wait3A_104 = tpu.memref_slice %arg4[%run_scoped3A_82, %dma_wait3A_103] : memref<32x16384xf32, #tpu.memory_space<hbm>> -> memref<1x16384xf32, #tpu.memory_space<hbm>>
      %dma_wait3A_105 = tpu.memref_squeeze %dma_wait3A_104 : memref<1x16384xf32, #tpu.memory_space<hbm>> -> memref<16384xf32, #tpu.memory_space<hbm>>
      %dma_wait3A_106 = tpu.memref_slice %dma_wait3A_105[%mul3A_2] : memref<16384xf32, #tpu.memory_space<hbm>> -> memref<512xf32, #tpu.memory_space<hbm>>
      %dma_wait3A_107 = arith.constant 0 : i32
      %dma_wait3A_108 = tpu.memref_slice %arg7[%run_scoped3A_81, %dma_wait3A_107] : memref<32x512xf32, #tpu.memory_space<vmem>> -> memref<1x512xf32, #tpu.memory_space<vmem>>
      %dma_wait3A_109 = tpu.memref_squeeze %dma_wait3A_108 : memref<1x512xf32, #tpu.memory_space<vmem>> -> memref<512xf32, #tpu.memory_space<vmem>>
      tpu.wait_dma2 semaphore(%run_scoped3A_83 : memref<!tpu.dma_semaphore, #tpu.memory_space<semaphore_mem>>) src(%dma_wait3A_109 : memref<512xf32, #tpu.memory_space<vmem>>) dst(%dma_wait3A_106 : memref<512xf32, #tpu.memory_space<hbm>>)
      tpu.yield
    }) : () -> ()
    return
  }
}

</mosaic_0001>

<sc_bundles>
// kernel: kernel.3.cloned.1.call-start
scs
__scs_entry_jumppad:
0x0: {  	(pc) =	sbr.rel $0x88, $3  }
0x1: {  	(tag) =	ssettag $0x0;
	lr =	simm.s32 $0x1  }
0x2: {  	[smem:$0x3F9F] =	sst lr;
	_ =	strace $0xD0000000  }
0x3: {  	_ = 	snop  }
0x4: {  	_ = 	snop  }
0x5: {  	_ = 	snop  }
0x6: {  	_ = 	snop  }
0x7: {  	_ = 	snop  }
__scs_overlays_trampoline_lowered:
0x8: {  	[smem:$0x3FAE] =	sst s0  }
0x9: {  	[smem:$0x3FAF] =	sst s1  }
0xa: {  	[smem:$0x3FB0] =	sst s2  }
0xb: {  	[smem:$0x3FB1] =	sst s3  }
0xc: {  	[smem:$0x3FB2] =	sst s4  }
0xd: {  	[smem:$0x3FB3] =	sst s5  }
0xe: {  	[smem:$0x3FB4] =	sst s6  }
0xf: {  	[smem:$0x3FB5] =	sst s7  }
0x10: {  	[smem:$0x3FB6] =	sst s8  }
0x11: {  	[smem:$0x3FB7] =	sst s9;
	s0 =	simm.s32 @!p0 $0x0  }
0x12: {  	s1 =	sld [smem:$0x3F9D];
	s0 =	simm.s32 @p0 $0x1  }
0x13: {  	[smem:$0x3FB8] =	sst s0;
	s0 =	simm.s32 @!p1 $0x0  }
0x14: {  	s2 =	sld [smem:$0x3F9C];
	s0 =	simm.s32 @p1 $0x1  }
0x15: {  	[smem:$0x3FB9] =	sst s0;
	s0 =	simm.s32 @!p2 $0x0  }
0x16: {  	s3 =	sld [smem:$0x3FDB];
	s0 =	simm.s32 @p2 $0x1  }
0x17: {  	s4 =	simm.s32 $0x1BF5;
	[smem:$0x3FBB] =	sst s0  }
0x18: {  	s0 =	sld [smem:$0x3F9E];
	_ =	swait.ge [sflag:s4], $0x0  }
0x19: {  	s7 =	sld [smem:$0x3F9F]  }
0x1a: {  	s8 =	sadd.s32 $0xFFFFE003, lr  }
0x1b: {  	s9 =	sadd.s32 $0xFFFFFEF7, lr;
	s5 =	simm.s32 $0xFFFFFFFF;
	p2 =	slt.u32 s8, $0xFFFFF086  }
0x1c: {  	p1 =	slt.u32 s9, $0xF7A;
	s5 =	simm.s32 @!p2 $0x0  }
0x1d: {  	s5 =	simm.s32 @p1 $0x1;
	p0 =	seq.s32 s7, s2  }
0x1e: {  	s7 =	smul.u32 @!p0 $0xF7A, s2;
	p2 =	seq.s32 @!p0 s5, $0x0  }
0x1f: {  	s9 =	smul.u32 $0xF7A, s1;
	s8 =	simm.s32 @!p0 $0x1BF5;
	p2 =	por !p2, p0  }
0x20: {  	[sflag:s8] =	ssyncset.s32 @!p0 $0xFFFFF086;
	s6 =	sadd.s32 @!p0 s3, s7;
	s7 =	simm.s32 @!p0 $0x108  }
0x21: {  	s3 =	sadd.s32 s3, s9;
	s6 =	sadd.s32 @!p0 $0x88, s6;
	s7 =	simm.s32 @p2 $0x1082  }
0x22: {  	[simem:s7], [sflag:s8] =	dma.local @!p0 [hbm:s6], $0xF7A  }
0x23: {  	s9 =	sor.u32 $0xD0000000, s2;
	s6 =	simm.s32 $0x108;
	_ =	swait.ge @!p0 [sflag:s8], $0x0  }
0x24: {  	s3 =	sadd.s32 $0x88, s3;
	s6 =	simm.s32 @!p1 $0x1082;
	[sflag:s4] =	ssyncset.s32 $0xFFFFF086  }
0x25: {  	[simem:s6], [sflag:s4] =	dma.local [hbm:s3], $0xF7A  }
0x26: {  	[smem:$0x3F9F] =	sst s1;
	(tag) =	ssettag s2;
	_ =	strace s9  }
0x27: {  	s1 =	sld [smem:$0x3FAF]  }
0x28: {  	s2 =	sld [smem:$0x3FB0]  }
0x29: {  	s4 =	sld [smem:$0x3FB2]  }
0x2a: {  	p0 =	seq.s32 s5, $0x0;
	s5 =	sld [smem:$0x3FB3]  }
0x2b: {  	s6 =	sld [smem:$0x3FB4]  }
0x2c: {  	s7 =	sld [smem:$0x3FB5]  }
0x2d: {  	s3 =	simm.s32 $0x108;
	s8 =	sld [smem:$0x3FB6]  }
0x2e: {  	s3 =	simm.s32 @!p0 $0x1082;
	s9 =	sld [smem:$0x3FB7]  }
0x2f: {  	lr =	sadd.s32 s0, s3;
	s0 =	sld [smem:$0x3FAE]  }
0x30: {  	s3 =	sld [smem:$0x3FB1]  }
0x31: {  	[smem:$0x3FBA] =	sst s10  }
0x32: {  	s10 =	sld [smem:$0x3FB8];
	_ =	sdelay $0x3  }
0x33: {  	p0 =	seq.s32 s10, $0x1;
	s10 =	sld [smem:$0x3FBA];
	_ =	sdelay $0x3  }
0x34: {  	[smem:$0x3FBA] =	sst s10  }
0x35: {  	s10 =	sld [smem:$0x3FB9];
	_ =	sdelay $0x3  }
0x36: {  	p1 =	seq.s32 s10, $0x1;
	s10 =	sld [smem:$0x3FBA];
	_ =	sdelay $0x3  }
0x37: {  	[smem:$0x3FBA] =	sst s10  }
0x38: {  	s10 =	sld [smem:$0x3FBB]  }
0x39: {  	_ = 	snop;
	(pc) =	sbr.ind lr, $3  }
0x3a: {  	_ = 	snop  }
0x3b: {  	_ = 	snop  }
0x3c: {  	p2 =	seq.s32 s10, $0x1;
	s10 =	sld [smem:$0x3FBA]  }
0x3d: {  	_ =	shalt  }
0x3e: {  	_ =	shalt  }
0x3f: {  	_ =	shalt  }
0x40: {  	_ =	shalt  }
0x41: {  	_ =	shalt  }
0x42: {  	_ =	shalt  }
0x43: {  	_ =	shalt  }
0x44: {  	_ =	shalt  }
0x45: {  	_ =	shalt  }
0x46: {  	_ =	shalt  }
0x47: {  	_ =	shalt  }
0x48: {  	_ =	shalt  }
0x49: {  	_ =	shalt  }
0x4a: {  	_ =	shalt  }
0x4b: {  	_ =	shalt  }
0x4c: {  	_ =	shalt  }
0x4d: {  	_ =	shalt  }
0x4e: {  	_ =	shalt  }
0x4f: {  	_ =	shalt  }
0x50: {  	_ =	shalt  }
0x51: {  	_ =	shalt  }
0x52: {  	_ =	shalt  }
0x53: {  	_ =	shalt  }
0x54: {  	_ =	shalt  }
0x55: {  	_ =	shalt  }
0x56: {  	_ =	shalt  }
0x57: {  	_ =	shalt  }
0x58: {  	_ =	shalt  }
0x59: {  	_ =	shalt  }
0x5a: {  	_ =	shalt  }
0x5b: {  	_ =	shalt  }
0x5c: {  	_ =	shalt  }
0x5d: {  	_ =	shalt  }
0x5e: {  	_ =	shalt  }
0x5f: {  	_ =	shalt  }
0x60: {  	_ =	shalt  }
0x61: {  	_ =	shalt  }
0x62: {  	_ =	shalt  }
0x63: {  	_ =	shalt  }
0x64: {  	_ =	shalt  }
0x65: {  	_ =	shalt  }
0x66: {  	_ =	shalt  }
0x67: {  	_ =	shalt  }
0x68: {  	_ =	shalt  }
0x69: {  	_ =	shalt  }
0x6a: {  	_ =	shalt  }
0x6b: {  	_ =	shalt  }
0x6c: {  	_ =	shalt  }
0x6d: {  	_ =	shalt  }
0x6e: {  	_ =	shalt  }
0x6f: {  	_ =	shalt  }
0x70: {  	_ =	shalt  }
0x71: {  	_ =	shalt  }
0x72: {  	_ =	shalt  }
0x73: {  	_ =	shalt  }
0x74: {  	_ =	shalt  }
0x75: {  	_ =	shalt  }
0x76: {  	_ =	shalt  }
0x77: {  	_ =	shalt  }
0x78: {  	_ =	shalt  }
0x79: {  	_ =	shalt  }
0x7a: {  	_ =	shalt  }
0x7b: {  	_ =	shalt  }
0x7c: {  	_ =	shalt  }
0x7d: {  	_ =	shalt  }
0x7e: {  	_ =	shalt  }
0x7f: {  	_ =	shalt  }
0x80: {  	_ =	shalt  }
0x81: {  	_ =	shalt  }
0x82: {  	_ =	shalt  }
0x83: {  	_ =	shalt  }
0x84: {  	_ =	shalt  }
0x85: {  	_ =	shalt  }
0x86: {  	_ =	shalt  }
0x87: {  	_ =	shalt  }
.Lfunc_end0:
.L_simem_size_0:
called_computation_lowered:
.L_overlay_start_0:
0x88: {  	s2 =	sld [smem:$0x3FD9]  }
0x89: {  	s3 =	sld [smem:$0x3FFE];
	_ =	sdelay $0x1  }
0x8a: {  	s1 =	srdreg.scid  }
0x8b: {  	s0 =	sand.u32 $0x1, s1  }
0x8c: {  	s17 =	sshll.u32 s0, $0xA;
	s2 =	sadd.s32 s3, s2  }
0x8d: {  	s2 =	sadd.s32 s2, s17  }
0x8e: {  	[smem:$0x3FC6] =	sst s2  }
0x8f: {  	_ = 	snop  }
0x90: {  	s2 =	sld [smem:$0x3FD0];
	(tm) =	ssettm $0x1  }
0x91: {  	s18 =	sld [smem:$0x3FFB];
	_ =	sdelay $0x3  }
0x92: {  	_ =	strace s18  }
0x93: {  	s3 =	sld [smem:$0x3FFC];
	_ =	sdelay $0x3  }
0x94: {  	_ =	strace s3  }
0x95: {  	s3 =	sld [smem:$0x3FFD];
	_ =	sdelay $0x3  }
0x96: {  	_ =	strace s3  }
0x97: {  	_ =	strace $0x8FFFFFFF  }
0x98: {  	s19 =	sld [smem:$0x3FDB];
	_ =	sdelay $0x1  }
0x99: {  	s4 =	simm.s32 $_scs_section_size  }
0x9a: {  	s5 =	simm.s32 $_size__tile_overlayer_lowered;
	s6 =	simm.s32 $_tile_overlayer_lowered  }
0x9b: {  	s22 =	simm.s32 $0x1BFF;
	s21 =	sshll.u32 s6, $0x1;
	s3 =	sadd.s32 s4, s19  }
0x9c: {  	s7 =	simm.s32 $0x0;
	s20 =	sshll.u32 s5, $0x1;
	s5 =	sadd.s32 s21, s3  }
0x9d: {  	[timem:s7], [sflag:s22] =	dma.local [hbm:s5], s20  }
0x9e: {  	_ =	swait.ge [sflag:s22], s20  }
0x9f: {  	s4 =	ssub.s32 $0x0, s20;
	[sflag:s22] =	ssyncset.done $0x0  }
0xa0: {  	[sflag:s22] =	ssyncadd.s32 s4;
	_ =	sdelay $0x1  }
0xa1: {  	s23 =	simm.s32 $0x1B8B  }
0xa2: {  	_ =	swait.ge [sflag:s23], $0x1  }
0xa3: {  	[sflag:s23] =	ssyncset.done $0x0  }
0xa4: {  	s25 =	simm.s32 $0x1B8E;
	s24 =	sld [smem:$0x3FFE];
	[sflag:s23] =	ssyncadd.s32 $0xFFFFFFFF  }
0xa5: {  	s26 =	simm.s32 $execute0_lowered;
	[smem:$0x3FD2] =	sst s25  }
0xa6: {  	s5 =	sshll.u32 s26, $0x1;
	_ =	strace $0x80000046;
	[dreg:$0x1] =	wrdreg $0xFFFFFFFF  }
0xa7: {  	s28 =	simm.s32 $_size_execute0_lowered;
	s3 =	sadd.s32 s3, s5;
	[dreg:$0x0] =	wrdreg $0x0  }
0xa8: {  	s5 =	sshll.u32 s28, $0x1;
	[dreg:$0x2] =	wrdreg s3  }
0xa9: {  	[dreg:$0x3] =	wrdreg s5  }
0xaa: {  	[dreg:$0x4] =	wrdreg $0xC0  }
0xab: {  	_ =	task [dreg:s7], $0x5FFFF  }
0xac: {  	[dreg:$0x1] =	wrdreg $0xFFFFFFFF  }
0xad: {  	[dreg:$0x0] =	wrdreg $0x60  }
0xae: {  	[dreg:$0x2] =	wrdreg s2  }
0xaf: {  	[dreg:$0x3] =	wrdreg s24  }
0xb0: {  	[dreg:$0x4] =	wrdreg $0x9  }
0xb1: {  	_ =	task.clear_ibuf [dreg:s7], $0x5FFFF;
	_ =	strace $0x90000046  }
0xb2: {  	s29 =	simm.s32 $0x9;
	_ =	strace $0x80000048  }
0xb3: {  	_ =	swait.ge [sflag:s29], $0x1  }
0xb4: {  	[sflag:s29] =	ssyncadd.s32 $0xFFFFFFFF  }
0xb5: {  	_ =	strace $0x90000048  }
0xb6: {  	_ =	sfence  }
0xb7: {  	s30 =	sld [smem:$0x0];
	_ =	sdelay $0x2  }
0xb8: {  	s31 =	sshll.u32 s1, $0xD;
	s1 =	sshrl.u32 s1, $0x2  }
0xb9: {  	s3 =	sand.u32 $0x4000, s31;
	s1 =	sadd.s32 s1, s30  }
0xba: {  	s0 =	sor.u32 s3, s0;
	s1 =	sshll.u32 s1, $0x11  }
0xbb: {  	s0 =	sor.u32 s1, s0  }
0xbc: {  	s0 =	sadd.s32 $0x8F2B, s0  }
0xbd: {  	[sflag:s0] =	ssyncadd.remote.s32 $0x1  }
0xbe: {  	_ =	sfence.sel $0xFFFF  }
0xbf: {  	[dreg:$0x0] =	wrdreg $0xFFFFFFFF;
	(pc) =	sbr.abs _section_cstart, $3  }
0xc0: {  	[dreg:$0x1] =	wrdreg $0xFFFFFFFF  }
0xc1: {  	_ =	task.clear_ibuf [dreg:s7], $0x2FFFF;
	_ =	strace $0x9FFFFFFF  }
0xc2: {  	(tm) =	ssettm $0x7FFFFFFF  }
0xc3: {  	_ =	shalt  }
tec
execute0_lowered:
.L_overlay_start_1:
0x0: {  	(tag) =	ssettag $0x1  }
0x1: {  	s14 =	rddreg [dreg:$0x1]  }
0x2: {  	s0 =	srdreg.scid;
	s1 =	stileid.u32;
	s4 =	sadd.s32 $0x9EBE00, s14  }
0x3: {  	s11 =	rddreg [dreg:$0x0];
	s5 =	sadd.s32 $0x9EC600, s14;
	s6 =	sadd.s32 $0x9ECE00, s14  }
0x4: {  	s0 =	sand.u32 $0x1, s0;
	s7 =	sadd.s32 $0x9ED600, s14;
	s8 =	sadd.s32 $0x9EDE00, s14  }
0x5: {  	s2 =	sshll.u32 s1, $0x1;
	s9 =	sadd.s32 $0x9EE600, s14;
	s10 =	sadd.s32 $0x9EEE00, s14  }
0x6: {  	s1 =	simm.s32 $0x0;
	s12 =	sadd.s32 $0x9EF600, s14;
	s13 =	sadd.s32 $0x9EFE00, s14  }
0x7: {  	s26 =	sadd.s32 $0x9F0600, s14;
	s16 =	sadd.s32 $0x9F0E00, s14;
	s2 =	sor.u32 s0, s2  }
0x8: {  	s17 =	sadd.s32 $0x9F1600, s14;
	s18 =	sadd.s32 $0x9F1E00, s14;
	s15 =	sshll.u32 s2, $0x6  }
0x9: {  	s20 =	sadd.s32 $0x9F2600, s14;
	[smem:$0x7FF] =	sst s1;
	s4 =	sadd.s32 s15, s4  }
0xa: {  	s21 =	sadd.s32 $0x9F2E00, s14;
	s5 =	sadd.s32 s15, s5;
	[dreg:$0x4] =	wrdreg s4  }
0xb: {  	s22 =	sadd.s32 $0x9F3E00, s14;
	s6 =	sadd.s32 s15, s6;
	[dreg:$0x5] =	wrdreg s5  }
0xc: {  	s23 =	sadd.s32 $0x9F5600, s14;
	s7 =	sadd.s32 s15, s7;
	[dreg:$0x6] =	wrdreg s6  }
0xd: {  	s0 =	ssub.s32 $0x2, s0;
	s8 =	sadd.s32 s15, s8;
	[dreg:$0x7] =	wrdreg s7  }
0xe: {  	s3 =	smul.u32 $0x680, s2;
	s9 =	sadd.s32 s15, s9;
	[dreg:$0x8] =	wrdreg s8  }
0xf: {  	s19 =	sshrl.u32 s0, $0x1;
	s10 =	sadd.s32 s15, s10;
	[dreg:$0x9] =	wrdreg s9  }
0x10: {  	s19 =	ssub.s32 s0, s19;
	s12 =	sadd.s32 s15, s12;
	[dreg:$0xa] =	wrdreg s10  }
0x11: {  	s0 =	sadd.s32 $0x9F3600, s14;
	s24 =	sadd.s32 s15, s13;
	[dreg:$0xb] =	wrdreg s12  }
0x12: {  	s2 =	sadd.s32 s15, s26;
	s25 =	sadd.s32 s15, s16;
	[dreg:$0xc] =	wrdreg s24  }
0x13: {  	s26 =	sadd.s32 s15, s17;
	s13 =	sadd.s32 $0x9F6E00, s14;
	[dreg:$0xd] =	wrdreg s2  }
0x14: {  	s16 =	sadd.s32 $0x9F7600, s14;
	s3 =	sadd.s32 s11, s3;
	[dreg:$0xe] =	wrdreg s25  }
0x15: {  	s11 =	sadd.s32 $0x9F4E00, s14;
	[dreg:$0xf] =	wrdreg s26;
	s4 =	sadd.s32 s15, s18  }
0x16: {  	s5 =	sadd.s32 s15, s20;
	s6 =	sadd.s32 s15, s21;
	s0 =	sadd.s32 s15, s0  }
0x17: {  	s7 =	sadd.s32 s15, s22;
	s10 =	sadd.s32 $0x9F5E00, s14;
	s12 =	sadd.s32 $0x9F6600, s14  }
0x18: {  	s17 =	sadd.s32 s15, s16;
	s18 =	sadd.s32 $0x9F7E00, s14;
	[dreg:$0x3] =	wrdreg s3  }
0x19: {  	s20 =	sadd.s32 $0x9F8600, s14;
	s21 =	sadd.s32 $0x9F8E00, s14;
	[dreg:$0x10] =	wrdreg s4  }
0x1a: {  	s22 =	sadd.s32 $0x9F9600, s14;
	s24 =	sadd.s32 $0x9FA600, s14;
	[dreg:$0x11] =	wrdreg s5  }
0x1b: {  	s25 =	sadd.s32 $0x9FAE00, s14;
	s26 =	sadd.s32 s15, s14;
	[dreg:$0x12] =	wrdreg s6  }
0x1c: {  	s16 =	simm.s32 $0x100;
	s3 =	sadd.s32 $0x9F4600, s14;
	[dreg:$0x13] =	wrdreg s0  }
0x1d: {  	[dreg:$0x14] =	wrdreg s7;
	s9 =	sadd.s32 s15, s11;
	s11 =	sadd.s32 s15, s23  }
0x1e: {  	s0 =	sadd.s32 s15, s10;
	[dreg:$0x1b] =	wrdreg s17;
	s28 =	sadd.s32 s15, s18  }
0x1f: {  	s29 =	sadd.s32 s15, s20;
	s30 =	sadd.s32 s15, s21;
	s31 =	sadd.s32 s15, s22  }
0x20: {  	s23 =	sadd.s32 $0x9F9E00, s14;
	s2 =	sadd.s32 s15, s24;
	s4 =	sadd.s32 $0x9EB600, s26  }
0x21: {  	s5 =	smax.u32 s19, $0x1;
	s6 =	sadd.s32 $0x400, s14;
	s7 =	sadd.s32 $0x34D4, s14  }
0x22: {  	s10 =	sadd.s32 $0xC750, s14;
	s20 =	sadd.s32 $0x18AA0, s14;
	[dreg:$0x16] =	wrdreg s9  }
0x23: {  	s17 =	simm.s32 $0x0;
	s8 =	sadd.s32 s15, s3;
	[dreg:$0x17] =	wrdreg s11  }
0x24: {  	[dreg:$0x18] =	wrdreg s0;
	s0 =	sadd.s32 s15, s12;
	s3 =	sadd.s32 s15, s25  }
0x25: {  	s9 =	sadd.s32 $0x967C, s14;
	s11 =	sadd.s32 $0xF824, s14;
	[dreg:$0x15] =	wrdreg s8  }
0x26: {  	s12 =	sadd.s32 $0x128F8, s14;
	[dreg:$0x19] =	wrdreg s0;
	s0 =	sadd.s32 s15, s13  }
0x27: {  	s8 =	sadd.s32 $0x65A8, s14;
	s13 =	sadd.s32 $0x159CC, s14;
	[dreg:$0x1a] =	wrdreg s0  }
0x28: {  	s0 =	sadd.s32 s15, s23;
	s15 =	simm.s32 $0x9;
	_ =	strace $0x80000047  }
.LBB2_1:
0x29: {  	s14 =	rddreg [dreg:$0x3]  }
0x2a: {  	[tilespmem:s1], [sflag:$0x9] =	stream.linear.gather [hbm4b:s14+s1], $0x3400, $0x38;
	[tilespmem:$0x8400] =	vst v63  }
0x2b: {  	_ =	swait.ge [sflag:s15], $0x3400  }
0x2c: {  	[sflag:s15] =	ssyncset.done $0x0  }
0x2d: {  	s18 =	simm.s32 $0x3400;
	[sflag:s15] =	ssyncadd.s32 $0xFFFFCC00  }
0x2e: {  	[tilespmem:s18], [sflag:$0x1] =	stream.indirect.gather [hbm4b:s6+s16], $0x1, s1, s16, $0xb8;
	[tilespmem:$0x8400] =	vst v63  }
0x2f: {  	s19 =	simm.s32 $0x3500  }
0x30: {  	[tilespmem:s19], [sflag:$0x1] =	stream.indirect.gather [hbm4b:s6+s16], $0x1, s16, s16, $0xb8;
	[tilespmem:$0x8400] =	vst v63  }
0x31: {  	s21 =	simm.s32 $0x3600  }
0x32: {  	[tilespmem:s21], [sflag:$0x2] =	stream.indirect.gather [hbm4b:s7+s16], $0x1, s1, s16, $0xb8;
	[tilespmem:$0x8400] =	vst v63  }
0x33: {  	s22 =	simm.s32 $0x3700  }
0x34: {  	[tilespmem:s22], [sflag:$0x2] =	stream.indirect.gather [hbm4b:s7+s16], $0x1, s16, s16, $0xb8;
	[tilespmem:$0x8400] =	vst v63  }
0x35: {  	s23 =	simm.s32 $0x3800  }
0x36: {  	[tilespmem:s23], [sflag:$0x3] =	stream.indirect.gather [hbm4b:s8+s16], $0x1, s1, s16, $0xb8;
	[tilespmem:$0x8400] =	vst v63  }
0x37: {  	s24 =	simm.s32 $0x3900  }
0x38: {  	[tilespmem:s24], [sflag:$0x3] =	stream.indirect.gather [hbm4b:s8+s16], $0x1, s16, s16, $0xb8;
	[tilespmem:$0x8400] =	vst v63  }
0x39: {  	s25 =	simm.s32 $0x3A00  }
0x3a: {  	[tilespmem:s25], [sflag:$0x4] =	stream.indirect.gather [hbm4b:s9+s16], $0x1, s1, s16, $0xb8;
	[tilespmem:$0x8400] =	vst v63  }
0x3b: {  	s26 =	simm.s32 $0x3B00  }
0x3c: {  	[tilespmem:s26], [sflag:$0x4] =	stream.indirect.gather [hbm4b:s9+s16], $0x1, s16, s16, $0xb8;
	[tilespmem:$0x8400] =	vst v63  }
0x3d: {  	s18 =	simm.s32 $0x3C00  }
0x3e: {  	[tilespmem:s18], [sflag:$0x5] =	stream.indirect.gather [hbm4b:s10+s16], $0x1, s1, s16, $0xb8;
	[tilespmem:$0x8400] =	vst v63  }
0x3f: {  	s19 =	simm.s32 $0x3D00  }
0x40: {  	[tilespmem:s19], [sflag:$0x5] =	stream.indirect.gather [hbm4b:s10+s16], $0x1, s16, s16, $0xb8;
	[tilespmem:$0x8400] =	vst v63  }
0x41: {  	s21 =	simm.s32 $0x3E00  }
0x42: {  	[tilespmem:s21], [sflag:$0x6] =	stream.indirect.gather [hbm4b:s11+s16], $0x1, s1, s16, $0xb8;
	[tilespmem:$0x8400] =	vst v63  }
0x43: {  	s22 =	simm.s32 $0x3F00  }
0x44: {  	[tilespmem:s22], [sflag:$0x6] =	stream.indirect.gather [hbm4b:s11+s16], $0x1, s16, s16, $0xb8;
	[tilespmem:$0x8400] =	vst v63  }
0x45: {  	s23 =	simm.s32 $0x4000  }
0x46: {  	[tilespmem:s23], [sflag:$0x7] =	stream.indirect.gather [hbm4b:s12+s16], $0x1, s1, s16, $0xb8;
	[tilespmem:$0x8400] =	vst v63  }
0x47: {  	s24 =	simm.s32 $0x4100  }
0x48: {  	[tilespmem:s24], [sflag:$0x7] =	stream.indirect.gather [hbm4b:s12+s16], $0x1, s16, s16, $0xb8;
	[tilespmem:$0x8400] =	vst v63  }
.Ltmp0:
0x49: {  	s14 =	smov.u32 s20;
	(pc) =	sbr.rel .LBB2_2-.Ltmp0, $4  }
0x4a: {  	s25 =	simm.s32 $0x4200;
	s26 =	simm.s32 $0x4300;
	s18 =	simm.s32 $0x4410  }
0x4b: {  	[tilespmem:s25], [sflag:$0x8] =	stream.indirect.gather [hbm4b:s13+s16], $0x1, s1, s16, $0xb8;
	[tilespmem:$0x8400] =	vst v63  }
0x4c: {  	s19 =	simm.s32 $0x200;
	s21 =	simm.s32 $0x0;
	s22 =	simm.s32 $0x0  }
0x4d: {  	[tilespmem:s26], [sflag:$0x8] =	stream.indirect.gather [hbm4b:s13+s16], $0x1, s16, s16, $0xb8;
	[tilespmem:$0x8400] =	vst v63  }
.LBB2_3:
0x4e: {  	s23 =	sand.u32 $0xE00, s21  }
0x4f: {  	v0 =	vld [tilespmem:s23+$0x3400];
	_ =	sdelay $0x4  }
0x50: {  	[tilespmem:s18+$0xFFFFFFF0] =	vst v0  }
0x51: {  	v0 =	vld [tilespmem:s23+$0x3410];
	_ =	sdelay $0x4  }
0x52: {  	[tilespmem:s18+$0x0] =	vst v0  }
.LBB2_5:
0x53: {  	s23 =	sand.u32 $0x7, s22  }
0x54: {  	s24 =	sshrl.u32 s19, $0x2;
	s25 =	sshll.u32 s23, $0x9  }
0x55: {  	s24 =	sand.u32 $0x7E00, s24;
	s23 =	sadd.s32 $0x1, s23;
	s26 =	sadd.s32 $0x3400, s25  }
0x56: {  	[tilespmem:s26], [sflag:s23] =	stream.indirect.gather [hbm4b:s14+s16], $0x1, s24, s16, $0xb8;
	[tilespmem:$0x8400] =	vst v63  }
0x57: {  	s25 =	sadd.s32 $0x3500, s25;
	s24 =	sor.u32 $0x100, s24  }
0x58: {  	[tilespmem:s25], [sflag:s23] =	stream.indirect.gather [hbm4b:s14+s16], $0x1, s24, s16, $0xb8;
	[tilespmem:$0x8400] =	vst v63  }
.LBB2_6:
0x59: {  	s22 =	sadd.s32 $0x1, s22  }
0x5a: {  	p0 =	sne.s32 s22, $0x340  }
.Ltmp1:
0x5b: {  	_ = 	snop;
	(pc) =	sbr.rel @!p0 .LBB2_7-.Ltmp1, $3  }
0x5c: {  	_ =	sdelay $0x1  }
0x5d: {  	s18 =	sadd.s32 $0x200, s18  }
0x5e: {  	s21 =	sadd.s32 $0x200, s21;
	s14 =	sadd.s32 $0x30D4, s14;
	s19 =	sadd.s32 $0x40, s19  }
.LBB2_2:
0x5f: {  	p0 =	sgt.u32 s22, $0x1F  }
.Ltmp2:
0x60: {  	_ = 	snop;
	(pc) =	sbr.rel @!p0 .LBB2_3-.Ltmp2, $1  }
0x61: {  	_ =	sdelay $0x3  }
0x62: {  	p0 =	sgt.u32 s22, $0x337  }
.Ltmp3:
0x63: {  	_ = 	snop;
	(pc) =	sbr.rel @p0 .LBB2_6-.Ltmp3, $4  }
.Ltmp4:
0x64: {  	_ = 	snop;
	(pc) =	sbr.rel @!p0 .LBB2_5-.Ltmp4, $4  }
0x65: {  	_ = 	snop  }
0x66: {  	_ = 	snop  }
0x67: {  	_ = 	snop  }
0x68: {  	_ = 	snop  }
.LBB2_7:
0x69: {  	s14 =	simm.s32 $0x0  }
0x6a: {  	s14 =	sand.u32 $0x7, s14  }
0x6b: {  	s18 =	sadd.s32 $0x1, s14  }
0x6c: {  	_ =	swait.ge [sflag:s18], $0x200  }
0x6d: {  	s14 =	simm.s32 $0x1;
	[sflag:s18] =	ssyncset.done $0x0  }
.LBB2_8:
0x6e: {  	p0 =	sne.s32 s14, $0x33F  }
0x6f: {  	[sflag:s18] =	ssyncadd.s32 $0xFFFFFE00;
	s18 =	smov.u32 s14;
	s14 =	sadd.s32 $0x1, s14  }
.Ltmp5:
0x70: {  	(pc) =	sbr.rel @p0 .LBB2_8-.Ltmp5, $4  }
0x71: {  	s18 =	sand.u32 $0x7, s18  }
0x72: {  	s18 =	sadd.s32 $0x1, s18  }
0x73: {  	_ =	swait.ge [sflag:s18], $0x200  }
0x74: {  	[sflag:s18] =	ssyncset.done $0x0  }
0x75: {  	[sflag:s18] =	ssyncadd.s32 $0xFFFFFE00;
	s14 =	simm.s32 $0x4400  }
0x76: {  	[hbm4b:s4+s1] =	stream.linear.scatter [tilespmem:s14], [sflag:$0x9], $0x200, $0x38;
	[tilespmem:$0x8400] =	vst v63  }
0x77: {  	_ =	swait.ge [sflag:s15], $0x200  }
0x78: {  	[sflag:s15] =	ssyncset.done $0x0  }
0x79: {  	s19 =	simm.s32 $0x4600;
	s18 =	rddreg [dreg:$0x4];
	[sflag:s15] =	ssyncadd.s32 $0xFFFFFE00  }
0x7a: {  	[hbm4b:s18+s1] =	stream.linear.scatter [tilespmem:s19], [sflag:$0x9], $0x200, $0x38;
	[tilespmem:$0x8400] =	vst v63  }
0x7b: {  	_ =	swait.ge [sflag:s15], $0x200  }
0x7c: {  	[sflag:s15] =	ssyncset.done $0x0  }
0x7d: {  	s22 =	simm.s32 $0x4800;
	s21 =	rddreg [dreg:$0x5];
	[sflag:s15] =	ssyncadd.s32 $0xFFFFFE00  }
0x7e: {  	[hbm4b:s21+s1] =	stream.linear.scatter [tilespmem:s22], [sflag:$0x9], $0x200, $0x38;
	[tilespmem:$0x8400] =	vst v63  }
0x7f: {  	_ =	swait.ge [sflag:s15], $0x200  }
0x80: {  	[sflag:s15] =	ssyncset.done $0x0  }
0x81: {  	s24 =	simm.s32 $0x4A00;
	s23 =	rddreg [dreg:$0x6];
	[sflag:s15] =	ssyncadd.s32 $0xFFFFFE00  }
0x82: {  	[hbm4b:s23+s1] =	stream.linear.scatter [tilespmem:s24], [sflag:$0x9], $0x200, $0x38;
	[tilespmem:$0x8400] =	vst v63  }
0x83: {  	_ =	swait.ge [sflag:s15], $0x200  }
0x84: {  	[sflag:s15] =	ssyncset.done $0x0  }
0x85: {  	s26 =	simm.s32 $0x4C00;
	s25 =	rddreg [dreg:$0x7];
	[sflag:s15] =	ssyncadd.s32 $0xFFFFFE00  }
0x86: {  	[hbm4b:s25+s1] =	stream.linear.scatter [tilespmem:s26], [sflag:$0x9], $0x200, $0x38;
	[tilespmem:$0x8400] =	vst v63  }
0x87: {  	_ =	swait.ge [sflag:s15], $0x200  }
0x88: {  	[sflag:s15] =	ssyncset.done $0x0  }
0x89: {  	s19 =	simm.s32 $0x4E00;
	s18 =	rddreg [dreg:$0x8];
	[sflag:s15] =	ssyncadd.s32 $0xFFFFFE00  }
0x8a: {  	[hbm4b:s18+s1] =	stream.linear.scatter [tilespmem:s19], [sflag:$0x9], $0x200, $0x38;
	[tilespmem:$0x8400] =	vst v63  }
0x8b: {  	_ =	swait.ge [sflag:s15], $0x200  }
0x8c: {  	[sflag:s15] =	ssyncset.done $0x0  }
0x8d: {  	s22 =	simm.s32 $0x5000;
	s21 =	rddreg [dreg:$0x9];
	[sflag:s15] =	ssyncadd.s32 $0xFFFFFE00  }
0x8e: {  	[hbm4b:s21+s1] =	stream.linear.scatter [tilespmem:s22], [sflag:$0x9], $0x200, $0x38;
	[tilespmem:$0x8400] =	vst v63  }
0x8f: {  	_ =	swait.ge [sflag:s15], $0x200  }
0x90: {  	[sflag:s15] =	ssyncset.done $0x0  }
0x91: {  	s24 =	simm.s32 $0x5200;
	s23 =	rddreg [dreg:$0xa];
	[sflag:s15] =	ssyncadd.s32 $0xFFFFFE00  }
0x92: {  	[hbm4b:s23+s1] =	stream.linear.scatter [tilespmem:s24], [sflag:$0x9], $0x200, $0x38;
	[tilespmem:$0x8400] =	vst v63  }
0x93: {  	_ =	swait.ge [sflag:s15], $0x200  }
0x94: {  	[sflag:s15] =	ssyncset.done $0x0  }
0x95: {  	s26 =	simm.s32 $0x5400;
	s25 =	rddreg [dreg:$0xb];
	[sflag:s15] =	ssyncadd.s32 $0xFFFFFE00  }
0x96: {  	[hbm4b:s25+s1] =	stream.linear.scatter [tilespmem:s26], [sflag:$0x9], $0x200, $0x38;
	[tilespmem:$0x8400] =	vst v63  }
0x97: {  	_ =	swait.ge [sflag:s15], $0x200  }
0x98: {  	[sflag:s15] =	ssyncset.done $0x0  }
0x99: {  	s19 =	simm.s32 $0x5600;
	s18 =	rddreg [dreg:$0xc];
	[sflag:s15] =	ssyncadd.s32 $0xFFFFFE00  }
0x9a: {  	[hbm4b:s18+s1] =	stream.linear.scatter [tilespmem:s19], [sflag:$0x9], $0x200, $0x38;
	[tilespmem:$0x8400] =	vst v63  }
0x9b: {  	_ =	swait.ge [sflag:s15], $0x200  }
0x9c: {  	[sflag:s15] =	ssyncset.done $0x0  }
0x9d: {  	s22 =	simm.s32 $0x5800;
	s21 =	rddreg [dreg:$0xd];
	[sflag:s15] =	ssyncadd.s32 $0xFFFFFE00  }
0x9e: {  	[hbm4b:s21+s1] =	stream.linear.scatter [tilespmem:s22], [sflag:$0x9], $0x200, $0x38;
	[tilespmem:$0x8400] =	vst v63  }
0x9f: {  	_ =	swait.ge [sflag:s15], $0x200  }
0xa0: {  	[sflag:s15] =	ssyncset.done $0x0  }
0xa1: {  	s24 =	simm.s32 $0x5A00;
	s23 =	rddreg [dreg:$0xe];
	[sflag:s15] =	ssyncadd.s32 $0xFFFFFE00  }
0xa2: {  	[hbm4b:s23+s1] =	stream.linear.scatter [tilespmem:s24], [sflag:$0x9], $0x200, $0x38;
	[tilespmem:$0x8400] =	vst v63  }
0xa3: {  	_ =	swait.ge [sflag:s15], $0x200  }
0xa4: {  	[sflag:s15] =	ssyncset.done $0x0  }
0xa5: {  	s26 =	simm.s32 $0x5C00;
	s25 =	rddreg [dreg:$0xf];
	[sflag:s15] =	ssyncadd.s32 $0xFFFFFE00  }
0xa6: {  	[hbm4b:s25+s1] =	stream.linear.scatter [tilespmem:s26], [sflag:$0x9], $0x200, $0x38;
	[tilespmem:$0x8400] =	vst v63  }
0xa7: {  	_ =	swait.ge [sflag:s15], $0x200  }
0xa8: {  	[sflag:s15] =	ssyncset.done $0x0  }
0xa9: {  	s19 =	simm.s32 $0x5E00;
	s18 =	rddreg [dreg:$0x10];
	[sflag:s15] =	ssyncadd.s32 $0xFFFFFE00  }
0xaa: {  	[hbm4b:s18+s1] =	stream.linear.scatter [tilespmem:s19], [sflag:$0x9], $0x200, $0x38;
	[tilespmem:$0x8400] =	vst v63  }
0xab: {  	_ =	swait.ge [sflag:s15], $0x200  }
0xac: {  	[sflag:s15] =	ssyncset.done $0x0  }
0xad: {  	s22 =	simm.s32 $0x6000;
	s21 =	rddreg [dreg:$0x11];
	[sflag:s15] =	ssyncadd.s32 $0xFFFFFE00  }
0xae: {  	[hbm4b:s21+s1] =	stream.linear.scatter [tilespmem:s22], [sflag:$0x9], $0x200, $0x38;
	[tilespmem:$0x8400] =	vst v63  }
0xaf: {  	_ =	swait.ge [sflag:s15], $0x200  }
0xb0: {  	[sflag:s15] =	ssyncset.done $0x0  }
0xb1: {  	s24 =	simm.s32 $0x6200;
	s23 =	rddreg [dreg:$0x12];
	[sflag:s15] =	ssyncadd.s32 $0xFFFFFE00  }
0xb2: {  	[hbm4b:s23+s1] =	stream.linear.scatter [tilespmem:s24], [sflag:$0x9], $0x200, $0x38;
	[tilespmem:$0x8400] =	vst v63  }
0xb3: {  	_ =	swait.ge [sflag:s15], $0x200  }
0xb4: {  	[sflag:s15] =	ssyncset.done $0x0  }
0xb5: {  	s26 =	simm.s32 $0x6400;
	s25 =	rddreg [dreg:$0x13];
	[sflag:s15] =	ssyncadd.s32 $0xFFFFFE00  }
0xb6: {  	[hbm4b:s25+s1] =	stream.linear.scatter [tilespmem:s26], [sflag:$0x9], $0x200, $0x38;
	[tilespmem:$0x8400] =	vst v63  }
0xb7: {  	_ =	swait.ge [sflag:s15], $0x200  }
0xb8: {  	[sflag:s15] =	ssyncset.done $0x0  }
0xb9: {  	s19 =	simm.s32 $0x6600;
	s18 =	rddreg [dreg:$0x14];
	[sflag:s15] =	ssyncadd.s32 $0xFFFFFE00  }
0xba: {  	[hbm4b:s18+s1] =	stream.linear.scatter [tilespmem:s19], [sflag:$0x9], $0x200, $0x38;
	[tilespmem:$0x8400] =	vst v63  }
0xbb: {  	_ =	swait.ge [sflag:s15], $0x200  }
0xbc: {  	[sflag:s15] =	ssyncset.done $0x0  }
0xbd: {  	s22 =	simm.s32 $0x6800;
	s21 =	rddreg [dreg:$0x15];
	[sflag:s15] =	ssyncadd.s32 $0xFFFFFE00  }
0xbe: {  	[hbm4b:s21+s1] =	stream.linear.scatter [tilespmem:s22], [sflag:$0x9], $0x200, $0x38;
	[tilespmem:$0x8400] =	vst v63  }
0xbf: {  	_ =	swait.ge [sflag:s15], $0x200  }
0xc0: {  	[sflag:s15] =	ssyncset.done $0x0  }
0xc1: {  	s24 =	simm.s32 $0x6A00;
	s23 =	rddreg [dreg:$0x16];
	[sflag:s15] =	ssyncadd.s32 $0xFFFFFE00  }
0xc2: {  	[hbm4b:s23+s1] =	stream.linear.scatter [tilespmem:s24], [sflag:$0x9], $0x200, $0x38;
	[tilespmem:$0x8400] =	vst v63  }
0xc3: {  	_ =	swait.ge [sflag:s15], $0x200  }
0xc4: {  	[sflag:s15] =	ssyncset.done $0x0  }
0xc5: {  	s26 =	simm.s32 $0x6C00;
	s25 =	rddreg [dreg:$0x17];
	[sflag:s15] =	ssyncadd.s32 $0xFFFFFE00  }
0xc6: {  	[hbm4b:s25+s1] =	stream.linear.scatter [tilespmem:s26], [sflag:$0x9], $0x200, $0x38;
	[tilespmem:$0x8400] =	vst v63  }
0xc7: {  	_ =	swait.ge [sflag:s15], $0x200  }
0xc8: {  	[sflag:s15] =	ssyncset.done $0x0  }
0xc9: {  	s19 =	simm.s32 $0x6E00;
	s18 =	rddreg [dreg:$0x18];
	[sflag:s15] =	ssyncadd.s32 $0xFFFFFE00  }
0xca: {  	[hbm4b:s18+s1] =	stream.linear.scatter [tilespmem:s19], [sflag:$0x9], $0x200, $0x38;
	[tilespmem:$0x8400] =	vst v63  }
0xcb: {  	_ =	swait.ge [sflag:s15], $0x200  }
0xcc: {  	[sflag:s15] =	ssyncset.done $0x0  }
0xcd: {  	s22 =	simm.s32 $0x7000;
	s21 =	rddreg [dreg:$0x19];
	[sflag:s15] =	ssyncadd.s32 $0xFFFFFE00  }
0xce: {  	[hbm4b:s21+s1] =	stream.linear.scatter [tilespmem:s22], [sflag:$0x9], $0x200, $0x38;
	[tilespmem:$0x8400] =	vst v63  }
0xcf: {  	_ =	swait.ge [sflag:s15], $0x200  }
0xd0: {  	[sflag:s15] =	ssyncset.done $0x0  }
0xd1: {  	s24 =	simm.s32 $0x7200;
	s23 =	rddreg [dreg:$0x1a];
	[sflag:s15] =	ssyncadd.s32 $0xFFFFFE00  }
0xd2: {  	[hbm4b:s23+s1] =	stream.linear.scatter [tilespmem:s24], [sflag:$0x9], $0x200, $0x38;
	[tilespmem:$0x8400] =	vst v63  }
0xd3: {  	_ =	swait.ge [sflag:s15], $0x200  }
0xd4: {  	[sflag:s15] =	ssyncset.done $0x0  }
0xd5: {  	s26 =	simm.s32 $0x7400;
	s25 =	rddreg [dreg:$0x1b];
	[sflag:s15] =	ssyncadd.s32 $0xFFFFFE00  }
0xd6: {  	[hbm4b:s25+s1] =	stream.linear.scatter [tilespmem:s26], [sflag:$0x9], $0x200, $0x38;
	[tilespmem:$0x8400] =	vst v63  }
0xd7: {  	_ =	swait.ge [sflag:s15], $0x200  }
0xd8: {  	[sflag:s15] =	ssyncset.done $0x0  }
0xd9: {  	s19 =	simm.s32 $0x7600;
	[sflag:s15] =	ssyncadd.s32 $0xFFFFFE00  }
0xda: {  	[hbm4b:s28+s1] =	stream.linear.scatter [tilespmem:s19], [sflag:$0x9], $0x200, $0x38;
	[tilespmem:$0x8400] =	vst v63  }
0xdb: {  	_ =	swait.ge [sflag:s15], $0x200  }
0xdc: {  	[sflag:s15] =	ssyncset.done $0x0  }
0xdd: {  	s21 =	simm.s32 $0x7800;
	[sflag:s15] =	ssyncadd.s32 $0xFFFFFE00  }
0xde: {  	[hbm4b:s29+s1] =	stream.linear.scatter [tilespmem:s21], [sflag:$0x9], $0x200, $0x38;
	[tilespmem:$0x8400] =	vst v63  }
0xdf: {  	_ =	swait.ge [sflag:s15], $0x200  }
0xe0: {  	[sflag:s15] =	ssyncset.done $0x0  }
0xe1: {  	s22 =	simm.s32 $0x7A00;
	[sflag:s15] =	ssyncadd.s32 $0xFFFFFE00  }
0xe2: {  	[hbm4b:s30+s1] =	stream.linear.scatter [tilespmem:s22], [sflag:$0x9], $0x200, $0x38;
	[tilespmem:$0x8400] =	vst v63  }
0xe3: {  	_ =	swait.ge [sflag:s15], $0x200  }
0xe4: {  	[sflag:s15] =	ssyncset.done $0x0  }
0xe5: {  	s23 =	simm.s32 $0x7C00;
	[sflag:s15] =	ssyncadd.s32 $0xFFFFFE00  }
0xe6: {  	[hbm4b:s31+s1] =	stream.linear.scatter [tilespmem:s23], [sflag:$0x9], $0x200, $0x38;
	[tilespmem:$0x8400] =	vst v63  }
0xe7: {  	_ =	swait.ge [sflag:s15], $0x200  }
0xe8: {  	[sflag:s15] =	ssyncset.done $0x0  }
0xe9: {  	s24 =	simm.s32 $0x7E00;
	[sflag:s15] =	ssyncadd.s32 $0xFFFFFE00  }
0xea: {  	[hbm4b:s0+s1] =	stream.linear.scatter [tilespmem:s24], [sflag:$0x9], $0x200, $0x38;
	[tilespmem:$0x8400] =	vst v63  }
0xeb: {  	_ =	swait.ge [sflag:s15], $0x200  }
0xec: {  	[sflag:s15] =	ssyncset.done $0x0  }
0xed: {  	s25 =	simm.s32 $0x8000;
	[sflag:s15] =	ssyncadd.s32 $0xFFFFFE00  }
0xee: {  	[hbm4b:s2+s1] =	stream.linear.scatter [tilespmem:s25], [sflag:$0x9], $0x200, $0x38;
	[tilespmem:$0x8400] =	vst v63  }
0xef: {  	s17 =	sadd.s32 $0x1, s17;
	_ =	swait.ge [sflag:s15], $0x200  }
0xf0: {  	p0 =	sne.s32 s17, s5;
	[sflag:s15] =	ssyncset.done $0x0  }
.Ltmp6:
0xf1: {  	s26 =	simm.s32 $0x8200;
	[sflag:s15] =	ssyncadd.s32 $0xFFFFFE00;
	(pc) =	sbr.rel @p0 .LBB2_1-.Ltmp6, $4  }
0xf2: {  	[hbm4b:s3+s1] =	stream.linear.scatter [tilespmem:s26], [sflag:$0x9], $0x200, $0x38;
	[tilespmem:$0x8400] =	vst v63  }
0xf3: {  	_ =	swait.ge [sflag:s15], $0x200  }
0xf4: {  	[sflag:s15] =	ssyncset.done $0x0  }
0xf5: {  	[sflag:s15] =	ssyncadd.s32 $0xFFFFFE00  }
0xf6: {  	_ =	sfence.sel $0x180000  }
0xf7: {  	[bflag:$0x0] =	sbarrier.arrive $0xFFFF  }
0xf8: {  	_ =	strace $0x90000047  }
0xf9: {  	s0 =	stileid.u32;
	[bflag:$0x2] =	sbarrier.arrive $0xFFFF  }
0xfa: {  	p0 =	sne.s32 s0, $0x0;
	s0 =	rddreg [dreg:$0x2]  }
0xfb: {  	s0 =	sadd.s32 @!p0 $0x100000, s0  }
0xfc: {  	[sflag:s0] =	ssyncadd.tile.s32 @!p0 $0x1;
	_ =	shalt  }
.Lfunc_end2:
_tile_overlayer_lowered:
.L_overlay_start_2:
0xfd: {  	(tag) =	ssettag $0x2  }
0xfe: {  	s0 =	rddreg [dreg:$0x0];
	s2 =	stileid.u32  }
0xff: {  	s1 =	rddreg [dreg:$0x1];
	p0 =	sne.s32 s2, $0x0  }
0x100: {  	s3 =	rddreg [dreg:$0x2];
	[bflag:$0x3] =	sbarrier.arrive $0xFFFF;
	s2 =	simm.s32 @!p0 $0x1C09  }
0x101: {  	[timem:s3], [sflag:s2] =	dma.local @!p0 [hbm:s0], s1  }
0x102: {  	s0 =	simm.s32 @!p0 $0x9  }
0x103: {  	_ =	swait.ge @!p0 [sflag:s0], s1  }
0x104: {  	s1 =	ssub.s32 @!p0 $0x0, s1;
	[sflag:s0] =	ssyncset.done @!p0 $0x0  }
0x105: {  	[sflag:s0] =	ssyncadd.s32 @!p0 s1  }
0x106: {  	[bflag:$0x3] =	sbarrier.arrive $0xFFFF  }
0x107: {  	_ =	shalt  }

</sc_bundles>
